<compile_context>
chip_gen: v7x
topology: tpu7x:2x2x1
jax: 0.10.2.dev20260603
libtpu: 0.0.44.dev20260713+nightly
codegen_flags: <defaults>
</compile_context>

<pallas_src>
import functools

import jax
import jax.numpy as jnp
from jax import lax
from jax.experimental import pallas as pl
from jax.experimental.pallas import tpu as pltpu
from jax.experimental.pallas import tpu_sc as plsc

_L = 16
_RB = 4096


def _lane_splat(vec, lane):
    idx = jnp.full((_L,), lane, dtype=jnp.int32)
    return vec.at[idx].get(mode="promise_in_bounds")


def _merit_prefix_sc(Cost, Pmax):
    NU = Cost.shape[0]
    mesh = plsc.VectorSubcoreMesh(core_axis_name="c", subcore_axis_name="s",
                                  num_cores=1)

    @functools.partial(
        pl.kernel,
        mesh=mesh,
        out_type=jax.ShapeDtypeStruct((NU,), jnp.float32),
        scratch_types=[
            pltpu.VMEM((NU,), jnp.float32),
            pltpu.VMEM((NU,), jnp.float32),
            pltpu.VMEM((2 * _L,), jnp.float32),
        ],
    )
    def run(cost_hbm, pmax_hbm, cb_hbm, cost_v, pmax_v, acc_v):
        s = lax.axis_index("s")
        pltpu.sync_copy(cost_hbm, cost_v)
        pltpu.sync_copy(pmax_hbm, pmax_v)

        iota = lax.broadcasted_iota(jnp.int32, (_L,), 0)
        base = pl.multiple_of(s * 2 * _L, 2 * _L)
        for gv in range(2):
            g0 = base + gv * _L
            cost_g = cost_v[pl.ds(g0, _L)]
            g_ids = g0 + iota

            def jbody(jg, acc):
                cj = cost_v[pl.ds(jg * _L, _L)]
                pj = pmax_v[pl.ds(jg * _L, _L)]
                jb = jg * _L
                for l in range(_L):
                    cjb = _lane_splat(cj, l)
                    pjb = _lane_splat(pj, l)
                    before = (cjb < cost_g) | (
                        (cjb == cost_g) & (jb + l < g_ids))
                    acc = acc + jnp.where(before, pjb, 0.0)
                return acc

            acc_v[pl.ds(gv * _L, _L)] = lax.fori_loop(
                0, NU // _L, jbody, jnp.zeros((_L,), jnp.float32))
        pltpu.sync_copy(acc_v, cb_hbm.at[pl.ds(base, 2 * _L)])

    return run(Cost, Pmax)


def _dense_body(x_ref, pd_ref, cb_ref, pmax_row_ref, w_ref, out_ref):
    total_d = jnp.sum(pd_ref[...]) - w_ref[0, 0] * x_ref[...]
    out_ref[...] = jnp.clip(total_d - cb_ref[...], 0.0, pmax_row_ref[...])


def kernel(x, Cost, Pd, w_capacity, Pmax):
    B = x.shape[0]
    n_unit = Cost.shape[0]

    cb = _merit_prefix_sc(Cost, Pmax)

    x_col = x.reshape(B, 1)
    pd2d = Pd.reshape(-1, 128)
    cb_row = cb.reshape(1, n_unit)
    pmax_row = Pmax.reshape(1, n_unit)
    w2d = w_capacity.reshape(1, 1)

    grid = (B // _RB,)
    return pl.pallas_call(
        _dense_body,
        grid=grid,
        in_specs=[
            pl.BlockSpec((_RB, 1), lambda i: (i, 0)),
            pl.BlockSpec(pd2d.shape, lambda i: (0, 0)),
            pl.BlockSpec((1, n_unit), lambda i: (0, 0)),
            pl.BlockSpec((1, n_unit), lambda i: (0, 0)),
            pl.BlockSpec((1, 1), lambda i: (0, 0)),
        ],
        out_specs=pl.BlockSpec((_RB, n_unit), lambda i: (i, 0)),
        out_shape=jax.ShapeDtypeStruct((B, n_unit), jnp.float32),
        compiler_params=pltpu.CompilerParams(
            dimension_semantics=("arbitrary",)),
    )(x_col, pd2d, cb_row, pmax_row, w2d)

# --- scband reference (transcript-rebuilt; emitter-appended) ---
"""Pipeline reference for scband-tensor-da-layer-75316546503011 (READ-ONLY COPY).

The authoritative reference and input builder live on the scoring server;
editing this copy changes nothing except your own understanding.
"""

import jax, jax.numpy as jnp
import numpy as np


def setup_inputs(seed: int = 0) -> dict:
    key = jax.random.key(seed)
    k1, k2, k3, k4, k5 = jax.random.split(key, 5)
    B = 16384
    n_unit = 512
    n_load = 2048
    x = jax.random.uniform(k1, (B,), dtype=jnp.float32)
    Cost = jax.random.uniform(k2, (n_unit,), dtype=jnp.float32)
    Pd = jax.random.uniform(k3, (n_load,), dtype=jnp.float32)
    w_capacity = jax.random.uniform(k4, (1,), dtype=jnp.float32) * 100.0
    Pmax = jax.random.uniform(k5, (n_unit,), dtype=jnp.float32) * 4.0
    return {"x": x, "Cost": Cost, "Pd": Pd, "w_capacity": w_capacity, "Pmax": Pmax}


def reference(x, Cost, Pd, w_capacity, Pmax):
    # Merit-order economic dispatch. Original torch loop:
    #   for g in argsort(Cost): p[:,g] = max(min(total_d - cum, Pmax[g]), 0); cum += p[:,g]
    # Closed form (exactly equal since Pmax >= 0):
    #   p_sorted[b,i] = clip(total_d[b] - cumsum_{<i}(Pmax_sorted), 0, Pmax_sorted[i])
    argsort_ind = jnp.argsort(Cost)
    total_d = (jnp.sum(Pd) - w_capacity * x).reshape(-1)
    Pmax_sorted = jnp.take(Pmax, argsort_ind, axis=0)
    cum_before = jnp.concatenate([
        jnp.zeros((1,), dtype=Pmax_sorted.dtype),
        jnp.cumsum(Pmax_sorted)[:-1],
    ])
    p_sorted = jnp.clip(total_d[:, None] - cum_before[None, :], 0.0, Pmax_sorted[None, :])
    # scatter columns back to original generator ordering
    p_gen = jnp.zeros((x.shape[0], Pmax.shape[0]), dtype=jnp.float32).at[:, argsort_ind].set(p_sorted)
    return p_gen

if __name__ == "__main__":
    import jax
    _d = setup_inputs()
    print(jax.jit(kernel)(*tuple(_d.values())))

</pallas_src>

<mosaic_0001>
#map = affine_map<(d0, d1) -> (0)>
module attributes {stable_mosaic.version = 14 : i64} {
  func.func @run(%arg0: i32, %arg1: i32, %arg2: memref<512xf32, #tpu.memory_space<hbm>>, %arg3: memref<512xf32, #tpu.memory_space<hbm>>, %arg4: memref<512xf32, #tpu.memory_space<hbm>>, %arg5: memref<512xf32, #tpu.memory_space<vmem>>, %arg6: memref<512xf32, #tpu.memory_space<vmem>>, %arg7: memref<32xf32, #tpu.memory_space<vmem>>) attributes {dimension_semantics = [#tpu.dimension_semantics<core_parallel>, #tpu.dimension_semantics<subcore_parallel>], iteration_bounds = array<i64: 1, 16>, scalar_prefetch = 0 : i64, scratch_operands = 3 : i64, tpu.core_type = #tpu.core_type<sc_vector_subcore>, window_params = [{transform_indices = #map}, {transform_indices = #map}, {transform_indices = #map}]} {
    "tpu.region"() ({
      %run_scoped3A = tpu.sem_alloc : memref<!tpu.dma_semaphore, #tpu.memory_space<semaphore_mem>>
      tpu.enqueue_dma source(%arg2 : memref<512xf32, #tpu.memory_space<hbm>>) target(%arg5 : memref<512xf32, #tpu.memory_space<vmem>>) target_semaphore(%run_scoped3A : memref<!tpu.dma_semaphore, #tpu.memory_space<semaphore_mem>>)
      tpu.wait_dma2 semaphore(%run_scoped3A : memref<!tpu.dma_semaphore, #tpu.memory_space<semaphore_mem>>) src(%arg2 : memref<512xf32, #tpu.memory_space<hbm>>) dst(%arg5 : memref<512xf32, #tpu.memory_space<vmem>>)
      tpu.yield
    }) : () -> ()
    "tpu.region"() ({
      %run_scoped3A = tpu.sem_alloc : memref<!tpu.dma_semaphore, #tpu.memory_space<semaphore_mem>>
      tpu.enqueue_dma source(%arg3 : memref<512xf32, #tpu.memory_space<hbm>>) target(%arg6 : memref<512xf32, #tpu.memory_space<vmem>>) target_semaphore(%run_scoped3A : memref<!tpu.dma_semaphore, #tpu.memory_space<semaphore_mem>>)
      tpu.wait_dma2 semaphore(%run_scoped3A : memref<!tpu.dma_semaphore, #tpu.memory_space<semaphore_mem>>) src(%arg3 : memref<512xf32, #tpu.memory_space<hbm>>) dst(%arg6 : memref<512xf32, #tpu.memory_space<vmem>>)
      tpu.yield
    }) : () -> ()
    %iota3A = tpu.iota {dimensions = array<i32: 0>} : vector<16xi32>
    %mul3A = arith.constant 2 : i32
    %mul3A_0 = arith.muli %arg1, %mul3A : i32
    %mul3A_1 = arith.constant 16 : i32
    %mul3A_2 = arith.muli %mul3A_0, %mul3A_1 : i32
    %multiple_of3A = tpu.assume_multiple %mul3A_2, 32 : i32
    %add3A = arith.constant 0 : i32
    %add3A_3 = arith.addi %multiple_of3A, %add3A : i32
    %get3A = arith.index_cast %add3A_3 : i32 to index
    %get3A_4 = tpu.vector_load %arg5[%get3A] {strides = array<i32>} : memref<512xf32, #tpu.memory_space<vmem>>, vector<16xf32>,
    %get3A_5 = vector.shape_cast %get3A_4 : vector<16xf32> to vector<16xf32>
    %add3A_6 = vector.broadcast %add3A_3 : i32 to vector<16xi32>
    %add3A_7 = arith.addi %add3A_6, %iota3A : vector<16xi32>
    %broadcast_in_dim3A = arith.constant 0.000000e+00 : f32
    %broadcast_in_dim3A_8 = vector.broadcast %broadcast_in_dim3A : f32 to vector<16xf32>
    %scan3A = arith.constant 0 : i32
    %scan3A_9 = arith.constant 32 : i32
    %scan3A_10 = arith.addi %scan3A, %scan3A_9 : i32
    %scan3A_11 = arith.constant 1 : i32
    %scan3A_12 = scf.for %scan3A_36 = %scan3A to %scan3A_10 step %scan3A_11 iter_args(%scan3A_37 = %broadcast_in_dim3A_8) -> (vector<16xf32>)  : i32 {
      %mul3A_38 = arith.constant 16 : i32
      %mul3A_39 = arith.muli %scan3A_36, %mul3A_38 : i32
      %get3A_40 = arith.index_cast %mul3A_39 : i32 to index
      %get3A_41 = tpu.vector_load %arg5[%get3A_40] {strides = array<i32>} : memref<512xf32, #tpu.memory_space<vmem>>, vector<16xf32>,
      %get3A_42 = vector.shape_cast %get3A_41 : vector<16xf32> to vector<16xf32>
      %mul3A_43 = arith.constant 16 : i32
      %mul3A_44 = arith.muli %scan3A_36, %mul3A_43 : i32
      %get3A_45 = arith.index_cast %mul3A_44 : i32 to index
      %get3A_46 = tpu.vector_load %arg6[%get3A_45] {strides = array<i32>} : memref<512xf32, #tpu.memory_space<vmem>>, vector<16xf32>,
      %get3A_47 = vector.shape_cast %get3A_46 : vector<16xf32> to vector<16xf32>
      %mul3A_48 = arith.constant 16 : i32
      %mul3A_49 = arith.muli %scan3A_36, %mul3A_48 : i32
      %broadcast_in_dim3A_50 = arith.constant 0 : i32
      %broadcast_in_dim3A_51 = vector.broadcast %broadcast_in_dim3A_50 : i32 to vector<16xi32>
      %lt3A = arith.constant 0 : i32
      %lt3A_52 = vector.broadcast %lt3A : i32 to vector<16xi32>
      %lt3A_53 = arith.cmpi slt, %broadcast_in_dim3A_51, %lt3A_52 : vector<16xi32>
      %add3A_54 = arith.constant 16 : i32
      %add3A_55 = vector.broadcast %add3A_54 : i32 to vector<16xi32>
      %add3A_56 = arith.addi %broadcast_in_dim3A_51, %add3A_55 : vector<16xi32>
      %select_n3A = arith.select %lt3A_53, %add3A_56, %broadcast_in_dim3A_51 : vector<16xi1>, vector<16xi32>
      %broadcast_in_dim3A_57 = vector.shape_cast %select_n3A : vector<16xi32> to vector<16x1xi32>
      %gather3A = vector.shape_cast %broadcast_in_dim3A_57 : vector<16x1xi32> to vector<16xi32>
      %gather3A_58 = tpu.dynamic_gather %get3A_42[%gather3A] in [0] : vector<16xf32>, vector<16xi32> -> vector<16xf32>
      %broadcast_in_dim3A_59 = arith.constant 0 : i32
      %broadcast_in_dim3A_60 = vector.broadcast %broadcast_in_dim3A_59 : i32 to vector<16xi32>
      %lt3A_61 = arith.constant 0 : i32
      %lt3A_62 = vector.broadcast %lt3A_61 : i32 to vector<16xi32>
      %lt3A_63 = arith.cmpi slt, %broadcast_in_dim3A_60, %lt3A_62 : vector<16xi32>
      %add3A_64 = arith.constant 16 : i32
      %add3A_65 = vector.broadcast %add3A_64 : i32 to vector<16xi32>
      %add3A_66 = arith.addi %broadcast_in_dim3A_60, %add3A_65 : vector<16xi32>
      %select_n3A_67 = arith.select %lt3A_63, %add3A_66, %broadcast_in_dim3A_60 : vector<16xi1>, vector<16xi32>
      %broadcast_in_dim3A_68 = vector.shape_cast %select_n3A_67 : vector<16xi32> to vector<16x1xi32>
      %gather3A_69 = vector.shape_cast %broadcast_in_dim3A_68 : vector<16x1xi32> to vector<16xi32>
      %gather3A_70 = tpu.dynamic_gather %get3A_47[%gather3A_69] in [0] : vector<16xf32>, vector<16xi32> -> vector<16xf32>
      %lt3A_71 = arith.cmpf olt, %gather3A_58, %get3A_5 : vector<16xf32>
      %eq3A = arith.cmpf oeq, %gather3A_58, %get3A_5 : vector<16xf32>
      %add3A_72 = arith.constant 0 : i32
      %add3A_73 = arith.addi %mul3A_49, %add3A_72 : i32
      %lt3A_74 = vector.broadcast %add3A_73 : i32 to vector<16xi32>
      %lt3A_75 = arith.cmpi slt, %lt3A_74, %add3A_7 : vector<16xi32>
      %and3A = arith.andi %eq3A, %lt3A_75 : vector<16xi1>
      %or3A = arith.ori %lt3A_71, %and3A : vector<16xi1>
      %jit3A = arith.constant 0.000000e+00 : f32
      %broadcast_in_dim3A_76 = vector.broadcast %jit3A : f32 to vector<16xf32>
      %select_n3A_77 = arith.select %or3A, %gather3A_70, %broadcast_in_dim3A_76 : vector<16xi1>, vector<16xf32>
      %add3A_78 = arith.addf %scan3A_37, %select_n3A_77 : vector<16xf32>
      %broadcast_in_dim3A_79 = arith.constant 1 : i32
      %broadcast_in_dim3A_80 = vector.broadcast %broadcast_in_dim3A_79 : i32 to vector<16xi32>
      %lt3A_81 = arith.constant 0 : i32
      %lt3A_82 = vector.broadcast %lt3A_81 : i32 to vector<16xi32>
      %lt3A_83 = arith.cmpi slt, %broadcast_in_dim3A_80, %lt3A_82 : vector<16xi32>
      %add3A_84 = arith.constant 16 : i32
      %add3A_85 = vector.broadcast %add3A_84 : i32 to vector<16xi32>
      %add3A_86 = arith.addi %broadcast_in_dim3A_80, %add3A_85 : vector<16xi32>
      %select_n3A_87 = arith.select %lt3A_83, %add3A_86, %broadcast_in_dim3A_80 : vector<16xi1>, vector<16xi32>
      %broadcast_in_dim3A_88 = vector.shape_cast %select_n3A_87 : vector<16xi32> to vector<16x1xi32>
      %gather3A_89 = vector.shape_cast %broadcast_in_dim3A_88 : vector<16x1xi32> to vector<16xi32>
      %gather3A_90 = tpu.dynamic_gather %get3A_42[%gather3A_89] in [0] : vector<16xf32>, vector<16xi32> -> vector<16xf32>
      %broadcast_in_dim3A_91 = arith.constant 1 : i32
      %broadcast_in_dim3A_92 = vector.broadcast %broadcast_in_dim3A_91 : i32 to vector<16xi32>
      %lt3A_93 = arith.constant 0 : i32
      %lt3A_94 = vector.broadcast %lt3A_93 : i32 to vector<16xi32>
      %lt3A_95 = arith.cmpi slt, %broadcast_in_dim3A_92, %lt3A_94 : vector<16xi32>
      %add3A_96 = arith.constant 16 : i32
      %add3A_97 = vector.broadcast %add3A_96 : i32 to vector<16xi32>
      %add3A_98 = arith.addi %broadcast_in_dim3A_92, %add3A_97 : vector<16xi32>
      %select_n3A_99 = arith.select %lt3A_95, %add3A_98, %broadcast_in_dim3A_92 : vector<16xi1>, vector<16xi32>
      %broadcast_in_dim3A_100 = vector.shape_cast %select_n3A_99 : vector<16xi32> to vector<16x1xi32>
      %gather3A_101 = vector.shape_cast %broadcast_in_dim3A_100 : vector<16x1xi32> to vector<16xi32>
      %gather3A_102 = tpu.dynamic_gather %get3A_47[%gather3A_101] in [0] : vector<16xf32>, vector<16xi32> -> vector<16xf32>
      %lt3A_103 = arith.cmpf olt, %gather3A_90, %get3A_5 : vector<16xf32>
      %eq3A_104 = arith.cmpf oeq, %gather3A_90, %get3A_5 : vector<16xf32>
      %add3A_105 = arith.constant 1 : i32
      %add3A_106 = arith.addi %mul3A_49, %add3A_105 : i32
      %lt3A_107 = vector.broadcast %add3A_106 : i32 to vector<16xi32>
      %lt3A_108 = arith.cmpi slt, %lt3A_107, %add3A_7 : vector<16xi32>
      %and3A_109 = arith.andi %eq3A_104, %lt3A_108 : vector<16xi1>
      %or3A_110 = arith.ori %lt3A_103, %and3A_109 : vector<16xi1>
      %jit3A_111 = arith.constant 0.000000e+00 : f32
      %broadcast_in_dim3A_112 = vector.broadcast %jit3A_111 : f32 to vector<16xf32>
      %select_n3A_113 = arith.select %or3A_110, %gather3A_102, %broadcast_in_dim3A_112 : vector<16xi1>, vector<16xf32>
      %add3A_114 = arith.addf %add3A_78, %select_n3A_113 : vector<16xf32>
      %broadcast_in_dim3A_115 = arith.constant 2 : i32
      %broadcast_in_dim3A_116 = vector.broadcast %broadcast_in_dim3A_115 : i32 to vector<16xi32>
      %lt3A_117 = arith.constant 0 : i32
      %lt3A_118 = vector.broadcast %lt3A_117 : i32 to vector<16xi32>
      %lt3A_119 = arith.cmpi slt, %broadcast_in_dim3A_116, %lt3A_118 : vector<16xi32>
      %add3A_120 = arith.constant 16 : i32
      %add3A_121 = vector.broadcast %add3A_120 : i32 to vector<16xi32>
      %add3A_122 = arith.addi %broadcast_in_dim3A_116, %add3A_121 : vector<16xi32>
      %select_n3A_123 = arith.select %lt3A_119, %add3A_122, %broadcast_in_dim3A_116 : vector<16xi1>, vector<16xi32>
      %broadcast_in_dim3A_124 = vector.shape_cast %select_n3A_123 : vector<16xi32> to vector<16x1xi32>
      %gather3A_125 = vector.shape_cast %broadcast_in_dim3A_124 : vector<16x1xi32> to vector<16xi32>
      %gather3A_126 = tpu.dynamic_gather %get3A_42[%gather3A_125] in [0] : vector<16xf32>, vector<16xi32> -> vector<16xf32>
      %broadcast_in_dim3A_127 = arith.constant 2 : i32
      %broadcast_in_dim3A_128 = vector.broadcast %broadcast_in_dim3A_127 : i32 to vector<16xi32>
      %lt3A_129 = arith.constant 0 : i32
      %lt3A_130 = vector.broadcast %lt3A_129 : i32 to vector<16xi32>
      %lt3A_131 = arith.cmpi slt, %broadcast_in_dim3A_128, %lt3A_130 : vector<16xi32>
      %add3A_132 = arith.constant 16 : i32
      %add3A_133 = vector.broadcast %add3A_132 : i32 to vector<16xi32>
      %add3A_134 = arith.addi %broadcast_in_dim3A_128, %add3A_133 : vector<16xi32>
      %select_n3A_135 = arith.select %lt3A_131, %add3A_134, %broadcast_in_dim3A_128 : vector<16xi1>, vector<16xi32>
      %broadcast_in_dim3A_136 = vector.shape_cast %select_n3A_135 : vector<16xi32> to vector<16x1xi32>
      %gather3A_137 = vector.shape_cast %broadcast_in_dim3A_136 : vector<16x1xi32> to vector<16xi32>
      %gather3A_138 = tpu.dynamic_gather %get3A_47[%gather3A_137] in [0] : vector<16xf32>, vector<16xi32> -> vector<16xf32>
      %lt3A_139 = arith.cmpf olt, %gather3A_126, %get3A_5 : vector<16xf32>
      %eq3A_140 = arith.cmpf oeq, %gather3A_126, %get3A_5 : vector<16xf32>
      %add3A_141 = arith.constant 2 : i32
      %add3A_142 = arith.addi %mul3A_49, %add3A_141 : i32
      %lt3A_143 = vector.broadcast %add3A_142 : i32 to vector<16xi32>
      %lt3A_144 = arith.cmpi slt, %lt3A_143, %add3A_7 : vector<16xi32>
      %and3A_145 = arith.andi %eq3A_140, %lt3A_144 : vector<16xi1>
      %or3A_146 = arith.ori %lt3A_139, %and3A_145 : vector<16xi1>
      %jit3A_147 = arith.constant 0.000000e+00 : f32
      %broadcast_in_dim3A_148 = vector.broadcast %jit3A_147 : f32 to vector<16xf32>
      %select_n3A_149 = arith.select %or3A_146, %gather3A_138, %broadcast_in_dim3A_148 : vector<16xi1>, vector<16xf32>
      %add3A_150 = arith.addf %add3A_114, %select_n3A_149 : vector<16xf32>
      %broadcast_in_dim3A_151 = arith.constant 3 : i32
      %broadcast_in_dim3A_152 = vector.broadcast %broadcast_in_dim3A_151 : i32 to vector<16xi32>
      %lt3A_153 = arith.constant 0 : i32
      %lt3A_154 = vector.broadcast %lt3A_153 : i32 to vector<16xi32>
      %lt3A_155 = arith.cmpi slt, %broadcast_in_dim3A_152, %lt3A_154 : vector<16xi32>
      %add3A_156 = arith.constant 16 : i32
      %add3A_157 = vector.broadcast %add3A_156 : i32 to vector<16xi32>
      %add3A_158 = arith.addi %broadcast_in_dim3A_152, %add3A_157 : vector<16xi32>
      %select_n3A_159 = arith.select %lt3A_155, %add3A_158, %broadcast_in_dim3A_152 : vector<16xi1>, vector<16xi32>
      %broadcast_in_dim3A_160 = vector.shape_cast %select_n3A_159 : vector<16xi32> to vector<16x1xi32>
      %gather3A_161 = vector.shape_cast %broadcast_in_dim3A_160 : vector<16x1xi32> to vector<16xi32>
      %gather3A_162 = tpu.dynamic_gather %get3A_42[%gather3A_161] in [0] : vector<16xf32>, vector<16xi32> -> vector<16xf32>
      %broadcast_in_dim3A_163 = arith.constant 3 : i32
      %broadcast_in_dim3A_164 = vector.broadcast %broadcast_in_dim3A_163 : i32 to vector<16xi32>
      %lt3A_165 = arith.constant 0 : i32
      %lt3A_166 = vector.broadcast %lt3A_165 : i32 to vector<16xi32>
      %lt3A_167 = arith.cmpi slt, %broadcast_in_dim3A_164, %lt3A_166 : vector<16xi32>
      %add3A_168 = arith.constant 16 : i32
      %add3A_169 = vector.broadcast %add3A_168 : i32 to vector<16xi32>
      %add3A_170 = arith.addi %broadcast_in_dim3A_164, %add3A_169 : vector<16xi32>
      %select_n3A_171 = arith.select %lt3A_167, %add3A_170, %broadcast_in_dim3A_164 : vector<16xi1>, vector<16xi32>
      %broadcast_in_dim3A_172 = vector.shape_cast %select_n3A_171 : vector<16xi32> to vector<16x1xi32>
      %gather3A_173 = vector.shape_cast %broadcast_in_dim3A_172 : vector<16x1xi32> to vector<16xi32>
      %gather3A_174 = tpu.dynamic_gather %get3A_47[%gather3A_173] in [0] : vector<16xf32>, vector<16xi32> -> vector<16xf32>
      %lt3A_175 = arith.cmpf olt, %gather3A_162, %get3A_5 : vector<16xf32>
      %eq3A_176 = arith.cmpf oeq, %gather3A_162, %get3A_5 : vector<16xf32>
      %add3A_177 = arith.constant 3 : i32
      %add3A_178 = arith.addi %mul3A_49, %add3A_177 : i32
      %lt3A_179 = vector.broadcast %add3A_178 : i32 to vector<16xi32>
      %lt3A_180 = arith.cmpi slt, %lt3A_179, %add3A_7 : vector<16xi32>
      %and3A_181 = arith.andi %eq3A_176, %lt3A_180 : vector<16xi1>
      %or3A_182 = arith.ori %lt3A_175, %and3A_181 : vector<16xi1>
      %jit3A_183 = arith.constant 0.000000e+00 : f32
      %broadcast_in_dim3A_184 = vector.broadcast %jit3A_183 : f32 to vector<16xf32>
      %select_n3A_185 = arith.select %or3A_182, %gather3A_174, %broadcast_in_dim3A_184 : vector<16xi1>, vector<16xf32>
      %add3A_186 = arith.addf %add3A_150, %select_n3A_185 : vector<16xf32>
      %broadcast_in_dim3A_187 = arith.constant 4 : i32
      %broadcast_in_dim3A_188 = vector.broadcast %broadcast_in_dim3A_187 : i32 to vector<16xi32>
      %lt3A_189 = arith.constant 0 : i32
      %lt3A_190 = vector.broadcast %lt3A_189 : i32 to vector<16xi32>
      %lt3A_191 = arith.cmpi slt, %broadcast_in_dim3A_188, %lt3A_190 : vector<16xi32>
      %add3A_192 = arith.constant 16 : i32
      %add3A_193 = vector.broadcast %add3A_192 : i32 to vector<16xi32>
      %add3A_194 = arith.addi %broadcast_in_dim3A_188, %add3A_193 : vector<16xi32>
      %select_n3A_195 = arith.select %lt3A_191, %add3A_194, %broadcast_in_dim3A_188 : vector<16xi1>, vector<16xi32>
      %broadcast_in_dim3A_196 = vector.shape_cast %select_n3A_195 : vector<16xi32> to vector<16x1xi32>
      %gather3A_197 = vector.shape_cast %broadcast_in_dim3A_196 : vector<16x1xi32> to vector<16xi32>
      %gather3A_198 = tpu.dynamic_gather %get3A_42[%gather3A_197] in [0] : vector<16xf32>, vector<16xi32> -> vector<16xf32>
      %broadcast_in_dim3A_199 = arith.constant 4 : i32
      %broadcast_in_dim3A_200 = vector.broadcast %broadcast_in_dim3A_199 : i32 to vector<16xi32>
      %lt3A_201 = arith.constant 0 : i32
      %lt3A_202 = vector.broadcast %lt3A_201 : i32 to vector<16xi32>
      %lt3A_203 = arith.cmpi slt, %broadcast_in_dim3A_200, %lt3A_202 : vector<16xi32>
      %add3A_204 = arith.constant 16 : i32
      %add3A_205 = vector.broadcast %add3A_204 : i32 to vector<16xi32>
      %add3A_206 = arith.addi %broadcast_in_dim3A_200, %add3A_205 : vector<16xi32>
      %select_n3A_207 = arith.select %lt3A_203, %add3A_206, %broadcast_in_dim3A_200 : vector<16xi1>, vector<16xi32>
      %broadcast_in_dim3A_208 = vector.shape_cast %select_n3A_207 : vector<16xi32> to vector<16x1xi32>
      %gather3A_209 = vector.shape_cast %broadcast_in_dim3A_208 : vector<16x1xi32> to vector<16xi32>
      %gather3A_210 = tpu.dynamic_gather %get3A_47[%gather3A_209] in [0] : vector<16xf32>, vector<16xi32> -> vector<16xf32>
      %lt3A_211 = arith.cmpf olt, %gather3A_198, %get3A_5 : vector<16xf32>
      %eq3A_212 = arith.cmpf oeq, %gather3A_198, %get3A_5 : vector<16xf32>
      %add3A_213 = arith.constant 4 : i32
      %add3A_214 = arith.addi %mul3A_49, %add3A_213 : i32
      %lt3A_215 = vector.broadcast %add3A_214 : i32 to vector<16xi32>
      %lt3A_216 = arith.cmpi slt, %lt3A_215, %add3A_7 : vector<16xi32>
      %and3A_217 = arith.andi %eq3A_212, %lt3A_216 : vector<16xi1>
      %or3A_218 = arith.ori %lt3A_211, %and3A_217 : vector<16xi1>
      %jit3A_219 = arith.constant 0.000000e+00 : f32
      %broadcast_in_dim3A_220 = vector.broadcast %jit3A_219 : f32 to vector<16xf32>
      %select_n3A_221 = arith.select %or3A_218, %gather3A_210, %broadcast_in_dim3A_220 : vector<16xi1>, vector<16xf32>
      %add3A_222 = arith.addf %add3A_186, %select_n3A_221 : vector<16xf32>
      %broadcast_in_dim3A_223 = arith.constant 5 : i32
      %broadcast_in_dim3A_224 = vector.broadcast %broadcast_in_dim3A_223 : i32 to vector<16xi32>
      %lt3A_225 = arith.constant 0 : i32
      %lt3A_226 = vector.broadcast %lt3A_225 : i32 to vector<16xi32>
      %lt3A_227 = arith.cmpi slt, %broadcast_in_dim3A_224, %lt3A_226 : vector<16xi32>
      %add3A_228 = arith.constant 16 : i32
      %add3A_229 = vector.broadcast %add3A_228 : i32 to vector<16xi32>
      %add3A_230 = arith.addi %broadcast_in_dim3A_224, %add3A_229 : vector<16xi32>
      %select_n3A_231 = arith.select %lt3A_227, %add3A_230, %broadcast_in_dim3A_224 : vector<16xi1>, vector<16xi32>
      %broadcast_in_dim3A_232 = vector.shape_cast %select_n3A_231 : vector<16xi32> to vector<16x1xi32>
      %gather3A_233 = vector.shape_cast %broadcast_in_dim3A_232 : vector<16x1xi32> to vector<16xi32>
      %gather3A_234 = tpu.dynamic_gather %get3A_42[%gather3A_233] in [0] : vector<16xf32>, vector<16xi32> -> vector<16xf32>
      %broadcast_in_dim3A_235 = arith.constant 5 : i32
      %broadcast_in_dim3A_236 = vector.broadcast %broadcast_in_dim3A_235 : i32 to vector<16xi32>
      %lt3A_237 = arith.constant 0 : i32
      %lt3A_238 = vector.broadcast %lt3A_237 : i32 to vector<16xi32>
      %lt3A_239 = arith.cmpi slt, %broadcast_in_dim3A_236, %lt3A_238 : vector<16xi32>
      %add3A_240 = arith.constant 16 : i32
      %add3A_241 = vector.broadcast %add3A_240 : i32 to vector<16xi32>
      %add3A_242 = arith.addi %broadcast_in_dim3A_236, %add3A_241 : vector<16xi32>
      %select_n3A_243 = arith.select %lt3A_239, %add3A_242, %broadcast_in_dim3A_236 : vector<16xi1>, vector<16xi32>
      %broadcast_in_dim3A_244 = vector.shape_cast %select_n3A_243 : vector<16xi32> to vector<16x1xi32>
      %gather3A_245 = vector.shape_cast %broadcast_in_dim3A_244 : vector<16x1xi32> to vector<16xi32>
      %gather3A_246 = tpu.dynamic_gather %get3A_47[%gather3A_245] in [0] : vector<16xf32>, vector<16xi32> -> vector<16xf32>
      %lt3A_247 = arith.cmpf olt, %gather3A_234, %get3A_5 : vector<16xf32>
      %eq3A_248 = arith.cmpf oeq, %gather3A_234, %get3A_5 : vector<16xf32>
      %add3A_249 = arith.constant 5 : i32
      %add3A_250 = arith.addi %mul3A_49, %add3A_249 : i32
      %lt3A_251 = vector.broadcast %add3A_250 : i32 to vector<16xi32>
      %lt3A_252 = arith.cmpi slt, %lt3A_251, %add3A_7 : vector<16xi32>
      %and3A_253 = arith.andi %eq3A_248, %lt3A_252 : vector<16xi1>
      %or3A_254 = arith.ori %lt3A_247, %and3A_253 : vector<16xi1>
      %jit3A_255 = arith.constant 0.000000e+00 : f32
      %broadcast_in_dim3A_256 = vector.broadcast %jit3A_255 : f32 to vector<16xf32>
      %select_n3A_257 = arith.select %or3A_254, %gather3A_246, %broadcast_in_dim3A_256 : vector<16xi1>, vector<16xf32>
      %add3A_258 = arith.addf %add3A_222, %select_n3A_257 : vector<16xf32>
      %broadcast_in_dim3A_259 = arith.constant 6 : i32
      %broadcast_in_dim3A_260 = vector.broadcast %broadcast_in_dim3A_259 : i32 to vector<16xi32>
      %lt3A_261 = arith.constant 0 : i32
      %lt3A_262 = vector.broadcast %lt3A_261 : i32 to vector<16xi32>
      %lt3A_263 = arith.cmpi slt, %broadcast_in_dim3A_260, %lt3A_262 : vector<16xi32>
      %add3A_264 = arith.constant 16 : i32
      %add3A_265 = vector.broadcast %add3A_264 : i32 to vector<16xi32>
      %add3A_266 = arith.addi %broadcast_in_dim3A_260, %add3A_265 : vector<16xi32>
      %select_n3A_267 = arith.select %lt3A_263, %add3A_266, %broadcast_in_dim3A_260 : vector<16xi1>, vector<16xi32>
      %broadcast_in_dim3A_268 = vector.shape_cast %select_n3A_267 : vector<16xi32> to vector<16x1xi32>
      %gather3A_269 = vector.shape_cast %broadcast_in_dim3A_268 : vector<16x1xi32> to vector<16xi32>
      %gather3A_270 = tpu.dynamic_gather %get3A_42[%gather3A_269] in [0] : vector<16xf32>, vector<16xi32> -> vector<16xf32>
      %broadcast_in_dim3A_271 = arith.constant 6 : i32
      %broadcast_in_dim3A_272 = vector.broadcast %broadcast_in_dim3A_271 : i32 to vector<16xi32>
      %lt3A_273 = arith.constant 0 : i32
      %lt3A_274 = vector.broadcast %lt3A_273 : i32 to vector<16xi32>
      %lt3A_275 = arith.cmpi slt, %broadcast_in_dim3A_272, %lt3A_274 : vector<16xi32>
      %add3A_276 = arith.constant 16 : i32
      %add3A_277 = vector.broadcast %add3A_276 : i32 to vector<16xi32>
      %add3A_278 = arith.addi %broadcast_in_dim3A_272, %add3A_277 : vector<16xi32>
      %select_n3A_279 = arith.select %lt3A_275, %add3A_278, %broadcast_in_dim3A_272 : vector<16xi1>, vector<16xi32>
      %broadcast_in_dim3A_280 = vector.shape_cast %select_n3A_279 : vector<16xi32> to vector<16x1xi32>
      %gather3A_281 = vector.shape_cast %broadcast_in_dim3A_280 : vector<16x1xi32> to vector<16xi32>
      %gather3A_282 = tpu.dynamic_gather %get3A_47[%gather3A_281] in [0] : vector<16xf32>, vector<16xi32> -> vector<16xf32>
      %lt3A_283 = arith.cmpf olt, %gather3A_270, %get3A_5 : vector<16xf32>
      %eq3A_284 = arith.cmpf oeq, %gather3A_270, %get3A_5 : vector<16xf32>
      %add3A_285 = arith.constant 6 : i32
      %add3A_286 = arith.addi %mul3A_49, %add3A_285 : i32
      %lt3A_287 = vector.broadcast %add3A_286 : i32 to vector<16xi32>
      %lt3A_288 = arith.cmpi slt, %lt3A_287, %add3A_7 : vector<16xi32>
      %and3A_289 = arith.andi %eq3A_284, %lt3A_288 : vector<16xi1>
      %or3A_290 = arith.ori %lt3A_283, %and3A_289 : vector<16xi1>
      %jit3A_291 = arith.constant 0.000000e+00 : f32
      %broadcast_in_dim3A_292 = vector.broadcast %jit3A_291 : f32 to vector<16xf32>
      %select_n3A_293 = arith.select %or3A_290, %gather3A_282, %broadcast_in_dim3A_292 : vector<16xi1>, vector<16xf32>
      %add3A_294 = arith.addf %add3A_258, %select_n3A_293 : vector<16xf32>
      %broadcast_in_dim3A_295 = arith.constant 7 : i32
      %broadcast_in_dim3A_296 = vector.broadcast %broadcast_in_dim3A_295 : i32 to vector<16xi32>
      %lt3A_297 = arith.constant 0 : i32
      %lt3A_298 = vector.broadcast %lt3A_297 : i32 to vector<16xi32>
      %lt3A_299 = arith.cmpi slt, %broadcast_in_dim3A_296, %lt3A_298 : vector<16xi32>
      %add3A_300 = arith.constant 16 : i32
      %add3A_301 = vector.broadcast %add3A_300 : i32 to vector<16xi32>
      %add3A_302 = arith.addi %broadcast_in_dim3A_296, %add3A_301 : vector<16xi32>
      %select_n3A_303 = arith.select %lt3A_299, %add3A_302, %broadcast_in_dim3A_296 : vector<16xi1>, vector<16xi32>
      %broadcast_in_dim3A_304 = vector.shape_cast %select_n3A_303 : vector<16xi32> to vector<16x1xi32>
      %gather3A_305 = vector.shape_cast %broadcast_in_dim3A_304 : vector<16x1xi32> to vector<16xi32>
      %gather3A_306 = tpu.dynamic_gather %get3A_42[%gather3A_305] in [0] : vector<16xf32>, vector<16xi32> -> vector<16xf32>
      %broadcast_in_dim3A_307 = arith.constant 7 : i32
      %broadcast_in_dim3A_308 = vector.broadcast %broadcast_in_dim3A_307 : i32 to vector<16xi32>
      %lt3A_309 = arith.constant 0 : i32
      %lt3A_310 = vector.broadcast %lt3A_309 : i32 to vector<16xi32>
      %lt3A_311 = arith.cmpi slt, %broadcast_in_dim3A_308, %lt3A_310 : vector<16xi32>
      %add3A_312 = arith.constant 16 : i32
      %add3A_313 = vector.broadcast %add3A_312 : i32 to vector<16xi32>
      %add3A_314 = arith.addi %broadcast_in_dim3A_308, %add3A_313 : vector<16xi32>
      %select_n3A_315 = arith.select %lt3A_311, %add3A_314, %broadcast_in_dim3A_308 : vector<16xi1>, vector<16xi32>
      %broadcast_in_dim3A_316 = vector.shape_cast %select_n3A_315 : vector<16xi32> to vector<16x1xi32>
      %gather3A_317 = vector.shape_cast %broadcast_in_dim3A_316 : vector<16x1xi32> to vector<16xi32>
      %gather3A_318 = tpu.dynamic_gather %get3A_47[%gather3A_317] in [0] : vector<16xf32>, vector<16xi32> -> vector<16xf32>
      %lt3A_319 = arith.cmpf olt, %gather3A_306, %get3A_5 : vector<16xf32>
      %eq3A_320 = arith.cmpf oeq, %gather3A_306, %get3A_5 : vector<16xf32>
      %add3A_321 = arith.constant 7 : i32
      %add3A_322 = arith.addi %mul3A_49, %add3A_321 : i32
      %lt3A_323 = vector.broadcast %add3A_322 : i32 to vector<16xi32>
      %lt3A_324 = arith.cmpi slt, %lt3A_323, %add3A_7 : vector<16xi32>
      %and3A_325 = arith.andi %eq3A_320, %lt3A_324 : vector<16xi1>
      %or3A_326 = arith.ori %lt3A_319, %and3A_325 : vector<16xi1>
      %jit3A_327 = arith.constant 0.000000e+00 : f32
      %broadcast_in_dim3A_328 = vector.broadcast %jit3A_327 : f32 to vector<16xf32>
      %select_n3A_329 = arith.select %or3A_326, %gather3A_318, %broadcast_in_dim3A_328 : vector<16xi1>, vector<16xf32>
      %add3A_330 = arith.addf %add3A_294, %select_n3A_329 : vector<16xf32>
      %broadcast_in_dim3A_331 = arith.constant 8 : i32
      %broadcast_in_dim3A_332 = vector.broadcast %broadcast_in_dim3A_331 : i32 to vector<16xi32>
      %lt3A_333 = arith.constant 0 : i32
      %lt3A_334 = vector.broadcast %lt3A_333 : i32 to vector<16xi32>
      %lt3A_335 = arith.cmpi slt, %broadcast_in_dim3A_332, %lt3A_334 : vector<16xi32>
      %add3A_336 = arith.constant 16 : i32
      %add3A_337 = vector.broadcast %add3A_336 : i32 to vector<16xi32>
      %add3A_338 = arith.addi %broadcast_in_dim3A_332, %add3A_337 : vector<16xi32>
      %select_n3A_339 = arith.select %lt3A_335, %add3A_338, %broadcast_in_dim3A_332 : vector<16xi1>, vector<16xi32>
      %broadcast_in_dim3A_340 = vector.shape_cast %select_n3A_339 : vector<16xi32> to vector<16x1xi32>
      %gather3A_341 = vector.shape_cast %broadcast_in_dim3A_340 : vector<16x1xi32> to vector<16xi32>
      %gather3A_342 = tpu.dynamic_gather %get3A_42[%gather3A_341] in [0] : vector<16xf32>, vector<16xi32> -> vector<16xf32>
      %broadcast_in_dim3A_343 = arith.constant 8 : i32
      %broadcast_in_dim3A_344 = vector.broadcast %broadcast_in_dim3A_343 : i32 to vector<16xi32>
      %lt3A_345 = arith.constant 0 : i32
      %lt3A_346 = vector.broadcast %lt3A_345 : i32 to vector<16xi32>
      %lt3A_347 = arith.cmpi slt, %broadcast_in_dim3A_344, %lt3A_346 : vector<16xi32>
      %add3A_348 = arith.constant 16 : i32
      %add3A_349 = vector.broadcast %add3A_348 : i32 to vector<16xi32>
      %add3A_350 = arith.addi %broadcast_in_dim3A_344, %add3A_349 : vector<16xi32>
      %select_n3A_351 = arith.select %lt3A_347, %add3A_350, %broadcast_in_dim3A_344 : vector<16xi1>, vector<16xi32>
      %broadcast_in_dim3A_352 = vector.shape_cast %select_n3A_351 : vector<16xi32> to vector<16x1xi32>
      %gather3A_353 = vector.shape_cast %broadcast_in_dim3A_352 : vector<16x1xi32> to vector<16xi32>
      %gather3A_354 = tpu.dynamic_gather %get3A_47[%gather3A_353] in [0] : vector<16xf32>, vector<16xi32> -> vector<16xf32>
      %lt3A_355 = arith.cmpf olt, %gather3A_342, %get3A_5 : vector<16xf32>
      %eq3A_356 = arith.cmpf oeq, %gather3A_342, %get3A_5 : vector<16xf32>
      %add3A_357 = arith.constant 8 : i32
      %add3A_358 = arith.addi %mul3A_49, %add3A_357 : i32
      %lt3A_359 = vector.broadcast %add3A_358 : i32 to vector<16xi32>
      %lt3A_360 = arith.cmpi slt, %lt3A_359, %add3A_7 : vector<16xi32>
      %and3A_361 = arith.andi %eq3A_356, %lt3A_360 : vector<16xi1>
      %or3A_362 = arith.ori %lt3A_355, %and3A_361 : vector<16xi1>
      %jit3A_363 = arith.constant 0.000000e+00 : f32
      %broadcast_in_dim3A_364 = vector.broadcast %jit3A_363 : f32 to vector<16xf32>
      %select_n3A_365 = arith.select %or3A_362, %gather3A_354, %broadcast_in_dim3A_364 : vector<16xi1>, vector<16xf32>
      %add3A_366 = arith.addf %add3A_330, %select_n3A_365 : vector<16xf32>
      %broadcast_in_dim3A_367 = arith.constant 9 : i32
      %broadcast_in_dim3A_368 = vector.broadcast %broadcast_in_dim3A_367 : i32 to vector<16xi32>
      %lt3A_369 = arith.constant 0 : i32
      %lt3A_370 = vector.broadcast %lt3A_369 : i32 to vector<16xi32>
      %lt3A_371 = arith.cmpi slt, %broadcast_in_dim3A_368, %lt3A_370 : vector<16xi32>
      %add3A_372 = arith.constant 16 : i32
      %add3A_373 = vector.broadcast %add3A_372 : i32 to vector<16xi32>
      %add3A_374 = arith.addi %broadcast_in_dim3A_368, %add3A_373 : vector<16xi32>
      %select_n3A_375 = arith.select %lt3A_371, %add3A_374, %broadcast_in_dim3A_368 : vector<16xi1>, vector<16xi32>
      %broadcast_in_dim3A_376 = vector.shape_cast %select_n3A_375 : vector<16xi32> to vector<16x1xi32>
      %gather3A_377 = vector.shape_cast %broadcast_in_dim3A_376 : vector<16x1xi32> to vector<16xi32>
      %gather3A_378 = tpu.dynamic_gather %get3A_42[%gather3A_377] in [0] : vector<16xf32>, vector<16xi32> -> vector<16xf32>
      %broadcast_in_dim3A_379 = arith.constant 9 : i32
      %broadcast_in_dim3A_380 = vector.broadcast %broadcast_in_dim3A_379 : i32 to vector<16xi32>
      %lt3A_381 = arith.constant 0 : i32
      %lt3A_382 = vector.broadcast %lt3A_381 : i32 to vector<16xi32>
      %lt3A_383 = arith.cmpi slt, %broadcast_in_dim3A_380, %lt3A_382 : vector<16xi32>
      %add3A_384 = arith.constant 16 : i32
      %add3A_385 = vector.broadcast %add3A_384 : i32 to vector<16xi32>
      %add3A_386 = arith.addi %broadcast_in_dim3A_380, %add3A_385 : vector<16xi32>
      %select_n3A_387 = arith.select %lt3A_383, %add3A_386, %broadcast_in_dim3A_380 : vector<16xi1>, vector<16xi32>
      %broadcast_in_dim3A_388 = vector.shape_cast %select_n3A_387 : vector<16xi32> to vector<16x1xi32>
      %gather3A_389 = vector.shape_cast %broadcast_in_dim3A_388 : vector<16x1xi32> to vector<16xi32>
      %gather3A_390 = tpu.dynamic_gather %get3A_47[%gather3A_389] in [0] : vector<16xf32>, vector<16xi32> -> vector<16xf32>
      %lt3A_391 = arith.cmpf olt, %gather3A_378, %get3A_5 : vector<16xf32>
      %eq3A_392 = arith.cmpf oeq, %gather3A_378, %get3A_5 : vector<16xf32>
      %add3A_393 = arith.constant 9 : i32
      %add3A_394 = arith.addi %mul3A_49, %add3A_393 : i32
      %lt3A_395 = vector.broadcast %add3A_394 : i32 to vector<16xi32>
      %lt3A_396 = arith.cmpi slt, %lt3A_395, %add3A_7 : vector<16xi32>
      %and3A_397 = arith.andi %eq3A_392, %lt3A_396 : vector<16xi1>
      %or3A_398 = arith.ori %lt3A_391, %and3A_397 : vector<16xi1>
      %jit3A_399 = arith.constant 0.000000e+00 : f32
      %broadcast_in_dim3A_400 = vector.broadcast %jit3A_399 : f32 to vector<16xf32>
      %select_n3A_401 = arith.select %or3A_398, %gather3A_390, %broadcast_in_dim3A_400 : vector<16xi1>, vector<16xf32>
      %add3A_402 = arith.addf %add3A_366, %select_n3A_401 : vector<16xf32>
      %broadcast_in_dim3A_403 = arith.constant 10 : i32
      %broadcast_in_dim3A_404 = vector.broadcast %broadcast_in_dim3A_403 : i32 to vector<16xi32>
      %lt3A_405 = arith.constant 0 : i32
      %lt3A_406 = vector.broadcast %lt3A_405 : i32 to vector<16xi32>
      %lt3A_407 = arith.cmpi slt, %broadcast_in_dim3A_404, %lt3A_406 : vector<16xi32>
      %add3A_408 = arith.constant 16 : i32
      %add3A_409 = vector.broadcast %add3A_408 : i32 to vector<16xi32>
      %add3A_410 = arith.addi %broadcast_in_dim3A_404, %add3A_409 : vector<16xi32>
      %select_n3A_411 = arith.select %lt3A_407, %add3A_410, %broadcast_in_dim3A_404 : vector<16xi1>, vector<16xi32>
      %broadcast_in_dim3A_412 = vector.shape_cast %select_n3A_411 : vector<16xi32> to vector<16x1xi32>
      %gather3A_413 = vector.shape_cast %broadcast_in_dim3A_412 : vector<16x1xi32> to vector<16xi32>
      %gather3A_414 = tpu.dynamic_gather %get3A_42[%gather3A_413] in [0] : vector<16xf32>, vector<16xi32> -> vector<16xf32>
      %broadcast_in_dim3A_415 = arith.constant 10 : i32
      %broadcast_in_dim3A_416 = vector.broadcast %broadcast_in_dim3A_415 : i32 to vector<16xi32>
      %lt3A_417 = arith.constant 0 : i32
      %lt3A_418 = vector.broadcast %lt3A_417 : i32 to vector<16xi32>
      %lt3A_419 = arith.cmpi slt, %broadcast_in_dim3A_416, %lt3A_418 : vector<16xi32>
      %add3A_420 = arith.constant 16 : i32
      %add3A_421 = vector.broadcast %add3A_420 : i32 to vector<16xi32>
      %add3A_422 = arith.addi %broadcast_in_dim3A_416, %add3A_421 : vector<16xi32>
      %select_n3A_423 = arith.select %lt3A_419, %add3A_422, %broadcast_in_dim3A_416 : vector<16xi1>, vector<16xi32>
      %broadcast_in_dim3A_424 = vector.shape_cast %select_n3A_423 : vector<16xi32> to vector<16x1xi32>
      %gather3A_425 = vector.shape_cast %broadcast_in_dim3A_424 : vector<16x1xi32> to vector<16xi32>
      %gather3A_426 = tpu.dynamic_gather %get3A_47[%gather3A_425] in [0] : vector<16xf32>, vector<16xi32> -> vector<16xf32>
      %lt3A_427 = arith.cmpf olt, %gather3A_414, %get3A_5 : vector<16xf32>
      %eq3A_428 = arith.cmpf oeq, %gather3A_414, %get3A_5 : vector<16xf32>
      %add3A_429 = arith.constant 10 : i32
      %add3A_430 = arith.addi %mul3A_49, %add3A_429 : i32
      %lt3A_431 = vector.broadcast %add3A_430 : i32 to vector<16xi32>
      %lt3A_432 = arith.cmpi slt, %lt3A_431, %add3A_7 : vector<16xi32>
      %and3A_433 = arith.andi %eq3A_428, %lt3A_432 : vector<16xi1>
      %or3A_434 = arith.ori %lt3A_427, %and3A_433 : vector<16xi1>
      %jit3A_435 = arith.constant 0.000000e+00 : f32
      %broadcast_in_dim3A_436 = vector.broadcast %jit3A_435 : f32 to vector<16xf32>
      %select_n3A_437 = arith.select %or3A_434, %gather3A_426, %broadcast_in_dim3A_436 : vector<16xi1>, vector<16xf32>
      %add3A_438 = arith.addf %add3A_402, %select_n3A_437 : vector<16xf32>
      %broadcast_in_dim3A_439 = arith.constant 11 : i32
      %broadcast_in_dim3A_440 = vector.broadcast %broadcast_in_dim3A_439 : i32 to vector<16xi32>
      %lt3A_441 = arith.constant 0 : i32
      %lt3A_442 = vector.broadcast %lt3A_441 : i32 to vector<16xi32>
      %lt3A_443 = arith.cmpi slt, %broadcast_in_dim3A_440, %lt3A_442 : vector<16xi32>
      %add3A_444 = arith.constant 16 : i32
      %add3A_445 = vector.broadcast %add3A_444 : i32 to vector<16xi32>
      %add3A_446 = arith.addi %broadcast_in_dim3A_440, %add3A_445 : vector<16xi32>
      %select_n3A_447 = arith.select %lt3A_443, %add3A_446, %broadcast_in_dim3A_440 : vector<16xi1>, vector<16xi32>
      %broadcast_in_dim3A_448 = vector.shape_cast %select_n3A_447 : vector<16xi32> to vector<16x1xi32>
      %gather3A_449 = vector.shape_cast %broadcast_in_dim3A_448 : vector<16x1xi32> to vector<16xi32>
      %gather3A_450 = tpu.dynamic_gather %get3A_42[%gather3A_449] in [0] : vector<16xf32>, vector<16xi32> -> vector<16xf32>
      %broadcast_in_dim3A_451 = arith.constant 11 : i32
      %broadcast_in_dim3A_452 = vector.broadcast %broadcast_in_dim3A_451 : i32 to vector<16xi32>
      %lt3A_453 = arith.constant 0 : i32
      %lt3A_454 = vector.broadcast %lt3A_453 : i32 to vector<16xi32>
      %lt3A_455 = arith.cmpi slt, %broadcast_in_dim3A_452, %lt3A_454 : vector<16xi32>
      %add3A_456 = arith.constant 16 : i32
      %add3A_457 = vector.broadcast %add3A_456 : i32 to vector<16xi32>
      %add3A_458 = arith.addi %broadcast_in_dim3A_452, %add3A_457 : vector<16xi32>
      %select_n3A_459 = arith.select %lt3A_455, %add3A_458, %broadcast_in_dim3A_452 : vector<16xi1>, vector<16xi32>
      %broadcast_in_dim3A_460 = vector.shape_cast %select_n3A_459 : vector<16xi32> to vector<16x1xi32>
      %gather3A_461 = vector.shape_cast %broadcast_in_dim3A_460 : vector<16x1xi32> to vector<16xi32>
      %gather3A_462 = tpu.dynamic_gather %get3A_47[%gather3A_461] in [0] : vector<16xf32>, vector<16xi32> -> vector<16xf32>
      %lt3A_463 = arith.cmpf olt, %gather3A_450, %get3A_5 : vector<16xf32>
      %eq3A_464 = arith.cmpf oeq, %gather3A_450, %get3A_5 : vector<16xf32>
      %add3A_465 = arith.constant 11 : i32
      %add3A_466 = arith.addi %mul3A_49, %add3A_465 : i32
      %lt3A_467 = vector.broadcast %add3A_466 : i32 to vector<16xi32>
      %lt3A_468 = arith.cmpi slt, %lt3A_467, %add3A_7 : vector<16xi32>
      %and3A_469 = arith.andi %eq3A_464, %lt3A_468 : vector<16xi1>
      %or3A_470 = arith.ori %lt3A_463, %and3A_469 : vector<16xi1>
      %jit3A_471 = arith.constant 0.000000e+00 : f32
      %broadcast_in_dim3A_472 = vector.broadcast %jit3A_471 : f32 to vector<16xf32>
      %select_n3A_473 = arith.select %or3A_470, %gather3A_462, %broadcast_in_dim3A_472 : vector<16xi1>, vector<16xf32>
      %add3A_474 = arith.addf %add3A_438, %select_n3A_473 : vector<16xf32>
      %broadcast_in_dim3A_475 = arith.constant 12 : i32
      %broadcast_in_dim3A_476 = vector.broadcast %broadcast_in_dim3A_475 : i32 to vector<16xi32>
      %lt3A_477 = arith.constant 0 : i32
      %lt3A_478 = vector.broadcast %lt3A_477 : i32 to vector<16xi32>
      %lt3A_479 = arith.cmpi slt, %broadcast_in_dim3A_476, %lt3A_478 : vector<16xi32>
      %add3A_480 = arith.constant 16 : i32
      %add3A_481 = vector.broadcast %add3A_480 : i32 to vector<16xi32>
      %add3A_482 = arith.addi %broadcast_in_dim3A_476, %add3A_481 : vector<16xi32>
      %select_n3A_483 = arith.select %lt3A_479, %add3A_482, %broadcast_in_dim3A_476 : vector<16xi1>, vector<16xi32>
      %broadcast_in_dim3A_484 = vector.shape_cast %select_n3A_483 : vector<16xi32> to vector<16x1xi32>
      %gather3A_485 = vector.shape_cast %broadcast_in_dim3A_484 : vector<16x1xi32> to vector<16xi32>
      %gather3A_486 = tpu.dynamic_gather %get3A_42[%gather3A_485] in [0] : vector<16xf32>, vector<16xi32> -> vector<16xf32>
      %broadcast_in_dim3A_487 = arith.constant 12 : i32
      %broadcast_in_dim3A_488 = vector.broadcast %broadcast_in_dim3A_487 : i32 to vector<16xi32>
      %lt3A_489 = arith.constant 0 : i32
      %lt3A_490 = vector.broadcast %lt3A_489 : i32 to vector<16xi32>
      %lt3A_491 = arith.cmpi slt, %broadcast_in_dim3A_488, %lt3A_490 : vector<16xi32>
      %add3A_492 = arith.constant 16 : i32
      %add3A_493 = vector.broadcast %add3A_492 : i32 to vector<16xi32>
      %add3A_494 = arith.addi %broadcast_in_dim3A_488, %add3A_493 : vector<16xi32>
      %select_n3A_495 = arith.select %lt3A_491, %add3A_494, %broadcast_in_dim3A_488 : vector<16xi1>, vector<16xi32>
      %broadcast_in_dim3A_496 = vector.shape_cast %select_n3A_495 : vector<16xi32> to vector<16x1xi32>
      %gather3A_497 = vector.shape_cast %broadcast_in_dim3A_496 : vector<16x1xi32> to vector<16xi32>
      %gather3A_498 = tpu.dynamic_gather %get3A_47[%gather3A_497] in [0] : vector<16xf32>, vector<16xi32> -> vector<16xf32>
      %lt3A_499 = arith.cmpf olt, %gather3A_486, %get3A_5 : vector<16xf32>
      %eq3A_500 = arith.cmpf oeq, %gather3A_486, %get3A_5 : vector<16xf32>
      %add3A_501 = arith.constant 12 : i32
      %add3A_502 = arith.addi %mul3A_49, %add3A_501 : i32
      %lt3A_503 = vector.broadcast %add3A_502 : i32 to vector<16xi32>
      %lt3A_504 = arith.cmpi slt, %lt3A_503, %add3A_7 : vector<16xi32>
      %and3A_505 = arith.andi %eq3A_500, %lt3A_504 : vector<16xi1>
      %or3A_506 = arith.ori %lt3A_499, %and3A_505 : vector<16xi1>
      %jit3A_507 = arith.constant 0.000000e+00 : f32
      %broadcast_in_dim3A_508 = vector.broadcast %jit3A_507 : f32 to vector<16xf32>
      %select_n3A_509 = arith.select %or3A_506, %gather3A_498, %broadcast_in_dim3A_508 : vector<16xi1>, vector<16xf32>
      %add3A_510 = arith.addf %add3A_474, %select_n3A_509 : vector<16xf32>
      %broadcast_in_dim3A_511 = arith.constant 13 : i32
      %broadcast_in_dim3A_512 = vector.broadcast %broadcast_in_dim3A_511 : i32 to vector<16xi32>
      %lt3A_513 = arith.constant 0 : i32
      %lt3A_514 = vector.broadcast %lt3A_513 : i32 to vector<16xi32>
      %lt3A_515 = arith.cmpi slt, %broadcast_in_dim3A_512, %lt3A_514 : vector<16xi32>
      %add3A_516 = arith.constant 16 : i32
      %add3A_517 = vector.broadcast %add3A_516 : i32 to vector<16xi32>
      %add3A_518 = arith.addi %broadcast_in_dim3A_512, %add3A_517 : vector<16xi32>
      %select_n3A_519 = arith.select %lt3A_515, %add3A_518, %broadcast_in_dim3A_512 : vector<16xi1>, vector<16xi32>
      %broadcast_in_dim3A_520 = vector.shape_cast %select_n3A_519 : vector<16xi32> to vector<16x1xi32>
      %gather3A_521 = vector.shape_cast %broadcast_in_dim3A_520 : vector<16x1xi32> to vector<16xi32>
      %gather3A_522 = tpu.dynamic_gather %get3A_42[%gather3A_521] in [0] : vector<16xf32>, vector<16xi32> -> vector<16xf32>
      %broadcast_in_dim3A_523 = arith.constant 13 : i32
      %broadcast_in_dim3A_524 = vector.broadcast %broadcast_in_dim3A_523 : i32 to vector<16xi32>
      %lt3A_525 = arith.constant 0 : i32
      %lt3A_526 = vector.broadcast %lt3A_525 : i32 to vector<16xi32>
      %lt3A_527 = arith.cmpi slt, %broadcast_in_dim3A_524, %lt3A_526 : vector<16xi32>
      %add3A_528 = arith.constant 16 : i32
      %add3A_529 = vector.broadcast %add3A_528 : i32 to vector<16xi32>
      %add3A_530 = arith.addi %broadcast_in_dim3A_524, %add3A_529 : vector<16xi32>
      %select_n3A_531 = arith.select %lt3A_527, %add3A_530, %broadcast_in_dim3A_524 : vector<16xi1>, vector<16xi32>
      %broadcast_in_dim3A_532 = vector.shape_cast %select_n3A_531 : vector<16xi32> to vector<16x1xi32>
      %gather3A_533 = vector.shape_cast %broadcast_in_dim3A_532 : vector<16x1xi32> to vector<16xi32>
      %gather3A_534 = tpu.dynamic_gather %get3A_47[%gather3A_533] in [0] : vector<16xf32>, vector<16xi32> -> vector<16xf32>
      %lt3A_535 = arith.cmpf olt, %gather3A_522, %get3A_5 : vector<16xf32>
      %eq3A_536 = arith.cmpf oeq, %gather3A_522, %get3A_5 : vector<16xf32>
      %add3A_537 = arith.constant 13 : i32
      %add3A_538 = arith.addi %mul3A_49, %add3A_537 : i32
      %lt3A_539 = vector.broadcast %add3A_538 : i32 to vector<16xi32>
      %lt3A_540 = arith.cmpi slt, %lt3A_539, %add3A_7 : vector<16xi32>
      %and3A_541 = arith.andi %eq3A_536, %lt3A_540 : vector<16xi1>
      %or3A_542 = arith.ori %lt3A_535, %and3A_541 : vector<16xi1>
      %jit3A_543 = arith.constant 0.000000e+00 : f32
      %broadcast_in_dim3A_544 = vector.broadcast %jit3A_543 : f32 to vector<16xf32>
      %select_n3A_545 = arith.select %or3A_542, %gather3A_534, %broadcast_in_dim3A_544 : vector<16xi1>, vector<16xf32>
      %add3A_546 = arith.addf %add3A_510, %select_n3A_545 : vector<16xf32>
      %broadcast_in_dim3A_547 = arith.constant 14 : i32
      %broadcast_in_dim3A_548 = vector.broadcast %broadcast_in_dim3A_547 : i32 to vector<16xi32>
      %lt3A_549 = arith.constant 0 : i32
      %lt3A_550 = vector.broadcast %lt3A_549 : i32 to vector<16xi32>
      %lt3A_551 = arith.cmpi slt, %broadcast_in_dim3A_548, %lt3A_550 : vector<16xi32>
      %add3A_552 = arith.constant 16 : i32
      %add3A_553 = vector.broadcast %add3A_552 : i32 to vector<16xi32>
      %add3A_554 = arith.addi %broadcast_in_dim3A_548, %add3A_553 : vector<16xi32>
      %select_n3A_555 = arith.select %lt3A_551, %add3A_554, %broadcast_in_dim3A_548 : vector<16xi1>, vector<16xi32>
      %broadcast_in_dim3A_556 = vector.shape_cast %select_n3A_555 : vector<16xi32> to vector<16x1xi32>
      %gather3A_557 = vector.shape_cast %broadcast_in_dim3A_556 : vector<16x1xi32> to vector<16xi32>
      %gather3A_558 = tpu.dynamic_gather %get3A_42[%gather3A_557] in [0] : vector<16xf32>, vector<16xi32> -> vector<16xf32>
      %broadcast_in_dim3A_559 = arith.constant 14 : i32
      %broadcast_in_dim3A_560 = vector.broadcast %broadcast_in_dim3A_559 : i32 to vector<16xi32>
      %lt3A_561 = arith.constant 0 : i32
      %lt3A_562 = vector.broadcast %lt3A_561 : i32 to vector<16xi32>
      %lt3A_563 = arith.cmpi slt, %broadcast_in_dim3A_560, %lt3A_562 : vector<16xi32>
      %add3A_564 = arith.constant 16 : i32
      %add3A_565 = vector.broadcast %add3A_564 : i32 to vector<16xi32>
      %add3A_566 = arith.addi %broadcast_in_dim3A_560, %add3A_565 : vector<16xi32>
      %select_n3A_567 = arith.select %lt3A_563, %add3A_566, %broadcast_in_dim3A_560 : vector<16xi1>, vector<16xi32>
      %broadcast_in_dim3A_568 = vector.shape_cast %select_n3A_567 : vector<16xi32> to vector<16x1xi32>
      %gather3A_569 = vector.shape_cast %broadcast_in_dim3A_568 : vector<16x1xi32> to vector<16xi32>
      %gather3A_570 = tpu.dynamic_gather %get3A_47[%gather3A_569] in [0] : vector<16xf32>, vector<16xi32> -> vector<16xf32>
      %lt3A_571 = arith.cmpf olt, %gather3A_558, %get3A_5 : vector<16xf32>
      %eq3A_572 = arith.cmpf oeq, %gather3A_558, %get3A_5 : vector<16xf32>
      %add3A_573 = arith.constant 14 : i32
      %add3A_574 = arith.addi %mul3A_49, %add3A_573 : i32
      %lt3A_575 = vector.broadcast %add3A_574 : i32 to vector<16xi32>
      %lt3A_576 = arith.cmpi slt, %lt3A_575, %add3A_7 : vector<16xi32>
      %and3A_577 = arith.andi %eq3A_572, %lt3A_576 : vector<16xi1>
      %or3A_578 = arith.ori %lt3A_571, %and3A_577 : vector<16xi1>
      %jit3A_579 = arith.constant 0.000000e+00 : f32
      %broadcast_in_dim3A_580 = vector.broadcast %jit3A_579 : f32 to vector<16xf32>
      %select_n3A_581 = arith.select %or3A_578, %gather3A_570, %broadcast_in_dim3A_580 : vector<16xi1>, vector<16xf32>
      %add3A_582 = arith.addf %add3A_546, %select_n3A_581 : vector<16xf32>
      %broadcast_in_dim3A_583 = arith.constant 15 : i32
      %broadcast_in_dim3A_584 = vector.broadcast %broadcast_in_dim3A_583 : i32 to vector<16xi32>
      %lt3A_585 = arith.constant 0 : i32
      %lt3A_586 = vector.broadcast %lt3A_585 : i32 to vector<16xi32>
      %lt3A_587 = arith.cmpi slt, %broadcast_in_dim3A_584, %lt3A_586 : vector<16xi32>
      %add3A_588 = arith.constant 16 : i32
      %add3A_589 = vector.broadcast %add3A_588 : i32 to vector<16xi32>
      %add3A_590 = arith.addi %broadcast_in_dim3A_584, %add3A_589 : vector<16xi32>
      %select_n3A_591 = arith.select %lt3A_587, %add3A_590, %broadcast_in_dim3A_584 : vector<16xi1>, vector<16xi32>
      %broadcast_in_dim3A_592 = vector.shape_cast %select_n3A_591 : vector<16xi32> to vector<16x1xi32>
      %gather3A_593 = vector.shape_cast %broadcast_in_dim3A_592 : vector<16x1xi32> to vector<16xi32>
      %gather3A_594 = tpu.dynamic_gather %get3A_42[%gather3A_593] in [0] : vector<16xf32>, vector<16xi32> -> vector<16xf32>
      %broadcast_in_dim3A_595 = arith.constant 15 : i32
      %broadcast_in_dim3A_596 = vector.broadcast %broadcast_in_dim3A_595 : i32 to vector<16xi32>
      %lt3A_597 = arith.constant 0 : i32
      %lt3A_598 = vector.broadcast %lt3A_597 : i32 to vector<16xi32>
      %lt3A_599 = arith.cmpi slt, %broadcast_in_dim3A_596, %lt3A_598 : vector<16xi32>
      %add3A_600 = arith.constant 16 : i32
      %add3A_601 = vector.broadcast %add3A_600 : i32 to vector<16xi32>
      %add3A_602 = arith.addi %broadcast_in_dim3A_596, %add3A_601 : vector<16xi32>
      %select_n3A_603 = arith.select %lt3A_599, %add3A_602, %broadcast_in_dim3A_596 : vector<16xi1>, vector<16xi32>
      %broadcast_in_dim3A_604 = vector.shape_cast %select_n3A_603 : vector<16xi32> to vector<16x1xi32>
      %gather3A_605 = vector.shape_cast %broadcast_in_dim3A_604 : vector<16x1xi32> to vector<16xi32>
      %gather3A_606 = tpu.dynamic_gather %get3A_47[%gather3A_605] in [0] : vector<16xf32>, vector<16xi32> -> vector<16xf32>
      %lt3A_607 = arith.cmpf olt, %gather3A_594, %get3A_5 : vector<16xf32>
      %eq3A_608 = arith.cmpf oeq, %gather3A_594, %get3A_5 : vector<16xf32>
      %add3A_609 = arith.constant 15 : i32
      %add3A_610 = arith.addi %mul3A_49, %add3A_609 : i32
      %lt3A_611 = vector.broadcast %add3A_610 : i32 to vector<16xi32>
      %lt3A_612 = arith.cmpi slt, %lt3A_611, %add3A_7 : vector<16xi32>
      %and3A_613 = arith.andi %eq3A_608, %lt3A_612 : vector<16xi1>
      %or3A_614 = arith.ori %lt3A_607, %and3A_613 : vector<16xi1>
      %jit3A_615 = arith.constant 0.000000e+00 : f32
      %broadcast_in_dim3A_616 = vector.broadcast %jit3A_615 : f32 to vector<16xf32>
      %select_n3A_617 = arith.select %or3A_614, %gather3A_606, %broadcast_in_dim3A_616 : vector<16xi1>, vector<16xf32>
      %add3A_618 = arith.addf %add3A_582, %select_n3A_617 : vector<16xf32>
      scf.yield %add3A_618 : vector<16xf32>
    }
    %scan3A_13 = arith.constant 32 : i32
    %swap3A = arith.constant 0 : index
    %swap3A_14 = tpu.vector_load %arg7[%swap3A] {strides = array<i32>} : memref<32xf32, #tpu.memory_space<vmem>>, vector<16xf32>,
    %swap3A_15 = vector.shape_cast %swap3A_14 : vector<16xf32> to vector<16xf32>
    %swap3A_16 = vector.shape_cast %scan3A_12 : vector<16xf32> to vector<16xf32>
    tpu.vector_store %arg7[%swap3A], %swap3A_16 {strides = array<i32>} : memref<32xf32, #tpu.memory_space<vmem>>, vector<16xf32>,
    %add3A_17 = arith.constant 16 : i32
    %add3A_18 = arith.addi %multiple_of3A, %add3A_17 : i32
    %get3A_19 = arith.index_cast %add3A_18 : i32 to index
    %get3A_20 = tpu.vector_load %arg5[%get3A_19] {strides = array<i32>} : memref<512xf32, #tpu.memory_space<vmem>>, vector<16xf32>,
    %get3A_21 = vector.shape_cast %get3A_20 : vector<16xf32> to vector<16xf32>
    %add3A_22 = vector.broadcast %add3A_18 : i32 to vector<16xi32>
    %add3A_23 = arith.addi %add3A_22, %iota3A : vector<16xi32>
    %broadcast_in_dim3A_24 = arith.constant 0.000000e+00 : f32
    %broadcast_in_dim3A_25 = vector.broadcast %broadcast_in_dim3A_24 : f32 to vector<16xf32>
    %scan3A_26 = arith.constant 0 : i32
    %scan3A_27 = arith.constant 32 : i32
    %scan3A_28 = arith.addi %scan3A_26, %scan3A_27 : i32
    %scan3A_29 = arith.constant 1 : i32
    %scan3A_30 = scf.for %scan3A_36 = %scan3A_26 to %scan3A_28 step %scan3A_29 iter_args(%scan3A_37 = %broadcast_in_dim3A_25) -> (vector<16xf32>)  : i32 {
      %mul3A_38 = arith.constant 16 : i32
      %mul3A_39 = arith.muli %scan3A_36, %mul3A_38 : i32
      %get3A_40 = arith.index_cast %mul3A_39 : i32 to index
      %get3A_41 = tpu.vector_load %arg5[%get3A_40] {strides = array<i32>} : memref<512xf32, #tpu.memory_space<vmem>>, vector<16xf32>,
      %get3A_42 = vector.shape_cast %get3A_41 : vector<16xf32> to vector<16xf32>
      %mul3A_43 = arith.constant 16 : i32
      %mul3A_44 = arith.muli %scan3A_36, %mul3A_43 : i32
      %get3A_45 = arith.index_cast %mul3A_44 : i32 to index
      %get3A_46 = tpu.vector_load %arg6[%get3A_45] {strides = array<i32>} : memref<512xf32, #tpu.memory_space<vmem>>, vector<16xf32>,
      %get3A_47 = vector.shape_cast %get3A_46 : vector<16xf32> to vector<16xf32>
      %mul3A_48 = arith.constant 16 : i32
      %mul3A_49 = arith.muli %scan3A_36, %mul3A_48 : i32
      %broadcast_in_dim3A_50 = arith.constant 0 : i32
      %broadcast_in_dim3A_51 = vector.broadcast %broadcast_in_dim3A_50 : i32 to vector<16xi32>
      %lt3A = arith.constant 0 : i32
      %lt3A_52 = vector.broadcast %lt3A : i32 to vector<16xi32>
      %lt3A_53 = arith.cmpi slt, %broadcast_in_dim3A_51, %lt3A_52 : vector<16xi32>
      %add3A_54 = arith.constant 16 : i32
      %add3A_55 = vector.broadcast %add3A_54 : i32 to vector<16xi32>
      %add3A_56 = arith.addi %broadcast_in_dim3A_51, %add3A_55 : vector<16xi32>
      %select_n3A = arith.select %lt3A_53, %add3A_56, %broadcast_in_dim3A_51 : vector<16xi1>, vector<16xi32>
      %broadcast_in_dim3A_57 = vector.shape_cast %select_n3A : vector<16xi32> to vector<16x1xi32>
      %gather3A = vector.shape_cast %broadcast_in_dim3A_57 : vector<16x1xi32> to vector<16xi32>
      %gather3A_58 = tpu.dynamic_gather %get3A_42[%gather3A] in [0] : vector<16xf32>, vector<16xi32> -> vector<16xf32>
      %broadcast_in_dim3A_59 = arith.constant 0 : i32
      %broadcast_in_dim3A_60 = vector.broadcast %broadcast_in_dim3A_59 : i32 to vector<16xi32>
      %lt3A_61 = arith.constant 0 : i32
      %lt3A_62 = vector.broadcast %lt3A_61 : i32 to vector<16xi32>
      %lt3A_63 = arith.cmpi slt, %broadcast_in_dim3A_60, %lt3A_62 : vector<16xi32>
      %add3A_64 = arith.constant 16 : i32
      %add3A_65 = vector.broadcast %add3A_64 : i32 to vector<16xi32>
      %add3A_66 = arith.addi %broadcast_in_dim3A_60, %add3A_65 : vector<16xi32>
      %select_n3A_67 = arith.select %lt3A_63, %add3A_66, %broadcast_in_dim3A_60 : vector<16xi1>, vector<16xi32>
      %broadcast_in_dim3A_68 = vector.shape_cast %select_n3A_67 : vector<16xi32> to vector<16x1xi32>
      %gather3A_69 = vector.shape_cast %broadcast_in_dim3A_68 : vector<16x1xi32> to vector<16xi32>
      %gather3A_70 = tpu.dynamic_gather %get3A_47[%gather3A_69] in [0] : vector<16xf32>, vector<16xi32> -> vector<16xf32>
      %lt3A_71 = arith.cmpf olt, %gather3A_58, %get3A_21 : vector<16xf32>
      %eq3A = arith.cmpf oeq, %gather3A_58, %get3A_21 : vector<16xf32>
      %add3A_72 = arith.constant 0 : i32
      %add3A_73 = arith.addi %mul3A_49, %add3A_72 : i32
      %lt3A_74 = vector.broadcast %add3A_73 : i32 to vector<16xi32>
      %lt3A_75 = arith.cmpi slt, %lt3A_74, %add3A_23 : vector<16xi32>
      %and3A = arith.andi %eq3A, %lt3A_75 : vector<16xi1>
      %or3A = arith.ori %lt3A_71, %and3A : vector<16xi1>
      %jit3A = arith.constant 0.000000e+00 : f32
      %broadcast_in_dim3A_76 = vector.broadcast %jit3A : f32 to vector<16xf32>
      %select_n3A_77 = arith.select %or3A, %gather3A_70, %broadcast_in_dim3A_76 : vector<16xi1>, vector<16xf32>
      %add3A_78 = arith.addf %scan3A_37, %select_n3A_77 : vector<16xf32>
      %broadcast_in_dim3A_79 = arith.constant 1 : i32
      %broadcast_in_dim3A_80 = vector.broadcast %broadcast_in_dim3A_79 : i32 to vector<16xi32>
      %lt3A_81 = arith.constant 0 : i32
      %lt3A_82 = vector.broadcast %lt3A_81 : i32 to vector<16xi32>
      %lt3A_83 = arith.cmpi slt, %broadcast_in_dim3A_80, %lt3A_82 : vector<16xi32>
      %add3A_84 = arith.constant 16 : i32
      %add3A_85 = vector.broadcast %add3A_84 : i32 to vector<16xi32>
      %add3A_86 = arith.addi %broadcast_in_dim3A_80, %add3A_85 : vector<16xi32>
      %select_n3A_87 = arith.select %lt3A_83, %add3A_86, %broadcast_in_dim3A_80 : vector<16xi1>, vector<16xi32>
      %broadcast_in_dim3A_88 = vector.shape_cast %select_n3A_87 : vector<16xi32> to vector<16x1xi32>
      %gather3A_89 = vector.shape_cast %broadcast_in_dim3A_88 : vector<16x1xi32> to vector<16xi32>
      %gather3A_90 = tpu.dynamic_gather %get3A_42[%gather3A_89] in [0] : vector<16xf32>, vector<16xi32> -> vector<16xf32>
      %broadcast_in_dim3A_91 = arith.constant 1 : i32
      %broadcast_in_dim3A_92 = vector.broadcast %broadcast_in_dim3A_91 : i32 to vector<16xi32>
      %lt3A_93 = arith.constant 0 : i32
      %lt3A_94 = vector.broadcast %lt3A_93 : i32 to vector<16xi32>
      %lt3A_95 = arith.cmpi slt, %broadcast_in_dim3A_92, %lt3A_94 : vector<16xi32>
      %add3A_96 = arith.constant 16 : i32
      %add3A_97 = vector.broadcast %add3A_96 : i32 to vector<16xi32>
      %add3A_98 = arith.addi %broadcast_in_dim3A_92, %add3A_97 : vector<16xi32>
      %select_n3A_99 = arith.select %lt3A_95, %add3A_98, %broadcast_in_dim3A_92 : vector<16xi1>, vector<16xi32>
      %broadcast_in_dim3A_100 = vector.shape_cast %select_n3A_99 : vector<16xi32> to vector<16x1xi32>
      %gather3A_101 = vector.shape_cast %broadcast_in_dim3A_100 : vector<16x1xi32> to vector<16xi32>
      %gather3A_102 = tpu.dynamic_gather %get3A_47[%gather3A_101] in [0] : vector<16xf32>, vector<16xi32> -> vector<16xf32>
      %lt3A_103 = arith.cmpf olt, %gather3A_90, %get3A_21 : vector<16xf32>
      %eq3A_104 = arith.cmpf oeq, %gather3A_90, %get3A_21 : vector<16xf32>
      %add3A_105 = arith.constant 1 : i32
      %add3A_106 = arith.addi %mul3A_49, %add3A_105 : i32
      %lt3A_107 = vector.broadcast %add3A_106 : i32 to vector<16xi32>
      %lt3A_108 = arith.cmpi slt, %lt3A_107, %add3A_23 : vector<16xi32>
      %and3A_109 = arith.andi %eq3A_104, %lt3A_108 : vector<16xi1>
      %or3A_110 = arith.ori %lt3A_103, %and3A_109 : vector<16xi1>
      %jit3A_111 = arith.constant 0.000000e+00 : f32
      %broadcast_in_dim3A_112 = vector.broadcast %jit3A_111 : f32 to vector<16xf32>
      %select_n3A_113 = arith.select %or3A_110, %gather3A_102, %broadcast_in_dim3A_112 : vector<16xi1>, vector<16xf32>
      %add3A_114 = arith.addf %add3A_78, %select_n3A_113 : vector<16xf32>
      %broadcast_in_dim3A_115 = arith.constant 2 : i32
      %broadcast_in_dim3A_116 = vector.broadcast %broadcast_in_dim3A_115 : i32 to vector<16xi32>
      %lt3A_117 = arith.constant 0 : i32
      %lt3A_118 = vector.broadcast %lt3A_117 : i32 to vector<16xi32>
      %lt3A_119 = arith.cmpi slt, %broadcast_in_dim3A_116, %lt3A_118 : vector<16xi32>
      %add3A_120 = arith.constant 16 : i32
      %add3A_121 = vector.broadcast %add3A_120 : i32 to vector<16xi32>
      %add3A_122 = arith.addi %broadcast_in_dim3A_116, %add3A_121 : vector<16xi32>
      %select_n3A_123 = arith.select %lt3A_119, %add3A_122, %broadcast_in_dim3A_116 : vector<16xi1>, vector<16xi32>
      %broadcast_in_dim3A_124 = vector.shape_cast %select_n3A_123 : vector<16xi32> to vector<16x1xi32>
      %gather3A_125 = vector.shape_cast %broadcast_in_dim3A_124 : vector<16x1xi32> to vector<16xi32>
      %gather3A_126 = tpu.dynamic_gather %get3A_42[%gather3A_125] in [0] : vector<16xf32>, vector<16xi32> -> vector<16xf32>
      %broadcast_in_dim3A_127 = arith.constant 2 : i32
      %broadcast_in_dim3A_128 = vector.broadcast %broadcast_in_dim3A_127 : i32 to vector<16xi32>
      %lt3A_129 = arith.constant 0 : i32
      %lt3A_130 = vector.broadcast %lt3A_129 : i32 to vector<16xi32>
      %lt3A_131 = arith.cmpi slt, %broadcast_in_dim3A_128, %lt3A_130 : vector<16xi32>
      %add3A_132 = arith.constant 16 : i32
      %add3A_133 = vector.broadcast %add3A_132 : i32 to vector<16xi32>
      %add3A_134 = arith.addi %broadcast_in_dim3A_128, %add3A_133 : vector<16xi32>
      %select_n3A_135 = arith.select %lt3A_131, %add3A_134, %broadcast_in_dim3A_128 : vector<16xi1>, vector<16xi32>
      %broadcast_in_dim3A_136 = vector.shape_cast %select_n3A_135 : vector<16xi32> to vector<16x1xi32>
      %gather3A_137 = vector.shape_cast %broadcast_in_dim3A_136 : vector<16x1xi32> to vector<16xi32>
      %gather3A_138 = tpu.dynamic_gather %get3A_47[%gather3A_137] in [0] : vector<16xf32>, vector<16xi32> -> vector<16xf32>
      %lt3A_139 = arith.cmpf olt, %gather3A_126, %get3A_21 : vector<16xf32>
      %eq3A_140 = arith.cmpf oeq, %gather3A_126, %get3A_21 : vector<16xf32>
      %add3A_141 = arith.constant 2 : i32
      %add3A_142 = arith.addi %mul3A_49, %add3A_141 : i32
      %lt3A_143 = vector.broadcast %add3A_142 : i32 to vector<16xi32>
      %lt3A_144 = arith.cmpi slt, %lt3A_143, %add3A_23 : vector<16xi32>
      %and3A_145 = arith.andi %eq3A_140, %lt3A_144 : vector<16xi1>
      %or3A_146 = arith.ori %lt3A_139, %and3A_145 : vector<16xi1>
      %jit3A_147 = arith.constant 0.000000e+00 : f32
      %broadcast_in_dim3A_148 = vector.broadcast %jit3A_147 : f32 to vector<16xf32>
      %select_n3A_149 = arith.select %or3A_146, %gather3A_138, %broadcast_in_dim3A_148 : vector<16xi1>, vector<16xf32>
      %add3A_150 = arith.addf %add3A_114, %select_n3A_149 : vector<16xf32>
      %broadcast_in_dim3A_151 = arith.constant 3 : i32
      %broadcast_in_dim3A_152 = vector.broadcast %broadcast_in_dim3A_151 : i32 to vector<16xi32>
      %lt3A_153 = arith.constant 0 : i32
      %lt3A_154 = vector.broadcast %lt3A_153 : i32 to vector<16xi32>
      %lt3A_155 = arith.cmpi slt, %broadcast_in_dim3A_152, %lt3A_154 : vector<16xi32>
      %add3A_156 = arith.constant 16 : i32
      %add3A_157 = vector.broadcast %add3A_156 : i32 to vector<16xi32>
      %add3A_158 = arith.addi %broadcast_in_dim3A_152, %add3A_157 : vector<16xi32>
      %select_n3A_159 = arith.select %lt3A_155, %add3A_158, %broadcast_in_dim3A_152 : vector<16xi1>, vector<16xi32>
      %broadcast_in_dim3A_160 = vector.shape_cast %select_n3A_159 : vector<16xi32> to vector<16x1xi32>
      %gather3A_161 = vector.shape_cast %broadcast_in_dim3A_160 : vector<16x1xi32> to vector<16xi32>
      %gather3A_162 = tpu.dynamic_gather %get3A_42[%gather3A_161] in [0] : vector<16xf32>, vector<16xi32> -> vector<16xf32>
      %broadcast_in_dim3A_163 = arith.constant 3 : i32
      %broadcast_in_dim3A_164 = vector.broadcast %broadcast_in_dim3A_163 : i32 to vector<16xi32>
      %lt3A_165 = arith.constant 0 : i32
      %lt3A_166 = vector.broadcast %lt3A_165 : i32 to vector<16xi32>
      %lt3A_167 = arith.cmpi slt, %broadcast_in_dim3A_164, %lt3A_166 : vector<16xi32>
      %add3A_168 = arith.constant 16 : i32
      %add3A_169 = vector.broadcast %add3A_168 : i32 to vector<16xi32>
      %add3A_170 = arith.addi %broadcast_in_dim3A_164, %add3A_169 : vector<16xi32>
      %select_n3A_171 = arith.select %lt3A_167, %add3A_170, %broadcast_in_dim3A_164 : vector<16xi1>, vector<16xi32>
      %broadcast_in_dim3A_172 = vector.shape_cast %select_n3A_171 : vector<16xi32> to vector<16x1xi32>
      %gather3A_173 = vector.shape_cast %broadcast_in_dim3A_172 : vector<16x1xi32> to vector<16xi32>
      %gather3A_174 = tpu.dynamic_gather %get3A_47[%gather3A_173] in [0] : vector<16xf32>, vector<16xi32> -> vector<16xf32>
      %lt3A_175 = arith.cmpf olt, %gather3A_162, %get3A_21 : vector<16xf32>
      %eq3A_176 = arith.cmpf oeq, %gather3A_162, %get3A_21 : vector<16xf32>
      %add3A_177 = arith.constant 3 : i32
      %add3A_178 = arith.addi %mul3A_49, %add3A_177 : i32
      %lt3A_179 = vector.broadcast %add3A_178 : i32 to vector<16xi32>
      %lt3A_180 = arith.cmpi slt, %lt3A_179, %add3A_23 : vector<16xi32>
      %and3A_181 = arith.andi %eq3A_176, %lt3A_180 : vector<16xi1>
      %or3A_182 = arith.ori %lt3A_175, %and3A_181 : vector<16xi1>
      %jit3A_183 = arith.constant 0.000000e+00 : f32
      %broadcast_in_dim3A_184 = vector.broadcast %jit3A_183 : f32 to vector<16xf32>
      %select_n3A_185 = arith.select %or3A_182, %gather3A_174, %broadcast_in_dim3A_184 : vector<16xi1>, vector<16xf32>
      %add3A_186 = arith.addf %add3A_150, %select_n3A_185 : vector<16xf32>
      %broadcast_in_dim3A_187 = arith.constant 4 : i32
      %broadcast_in_dim3A_188 = vector.broadcast %broadcast_in_dim3A_187 : i32 to vector<16xi32>
      %lt3A_189 = arith.constant 0 : i32
      %lt3A_190 = vector.broadcast %lt3A_189 : i32 to vector<16xi32>
      %lt3A_191 = arith.cmpi slt, %broadcast_in_dim3A_188, %lt3A_190 : vector<16xi32>
      %add3A_192 = arith.constant 16 : i32
      %add3A_193 = vector.broadcast %add3A_192 : i32 to vector<16xi32>
      %add3A_194 = arith.addi %broadcast_in_dim3A_188, %add3A_193 : vector<16xi32>
      %select_n3A_195 = arith.select %lt3A_191, %add3A_194, %broadcast_in_dim3A_188 : vector<16xi1>, vector<16xi32>
      %broadcast_in_dim3A_196 = vector.shape_cast %select_n3A_195 : vector<16xi32> to vector<16x1xi32>
      %gather3A_197 = vector.shape_cast %broadcast_in_dim3A_196 : vector<16x1xi32> to vector<16xi32>
      %gather3A_198 = tpu.dynamic_gather %get3A_42[%gather3A_197] in [0] : vector<16xf32>, vector<16xi32> -> vector<16xf32>
      %broadcast_in_dim3A_199 = arith.constant 4 : i32
      %broadcast_in_dim3A_200 = vector.broadcast %broadcast_in_dim3A_199 : i32 to vector<16xi32>
      %lt3A_201 = arith.constant 0 : i32
      %lt3A_202 = vector.broadcast %lt3A_201 : i32 to vector<16xi32>
      %lt3A_203 = arith.cmpi slt, %broadcast_in_dim3A_200, %lt3A_202 : vector<16xi32>
      %add3A_204 = arith.constant 16 : i32
      %add3A_205 = vector.broadcast %add3A_204 : i32 to vector<16xi32>
      %add3A_206 = arith.addi %broadcast_in_dim3A_200, %add3A_205 : vector<16xi32>
      %select_n3A_207 = arith.select %lt3A_203, %add3A_206, %broadcast_in_dim3A_200 : vector<16xi1>, vector<16xi32>
      %broadcast_in_dim3A_208 = vector.shape_cast %select_n3A_207 : vector<16xi32> to vector<16x1xi32>
      %gather3A_209 = vector.shape_cast %broadcast_in_dim3A_208 : vector<16x1xi32> to vector<16xi32>
      %gather3A_210 = tpu.dynamic_gather %get3A_47[%gather3A_209] in [0] : vector<16xf32>, vector<16xi32> -> vector<16xf32>
      %lt3A_211 = arith.cmpf olt, %gather3A_198, %get3A_21 : vector<16xf32>
      %eq3A_212 = arith.cmpf oeq, %gather3A_198, %get3A_21 : vector<16xf32>
      %add3A_213 = arith.constant 4 : i32
      %add3A_214 = arith.addi %mul3A_49, %add3A_213 : i32
      %lt3A_215 = vector.broadcast %add3A_214 : i32 to vector<16xi32>
      %lt3A_216 = arith.cmpi slt, %lt3A_215, %add3A_23 : vector<16xi32>
      %and3A_217 = arith.andi %eq3A_212, %lt3A_216 : vector<16xi1>
      %or3A_218 = arith.ori %lt3A_211, %and3A_217 : vector<16xi1>
      %jit3A_219 = arith.constant 0.000000e+00 : f32
      %broadcast_in_dim3A_220 = vector.broadcast %jit3A_219 : f32 to vector<16xf32>
      %select_n3A_221 = arith.select %or3A_218, %gather3A_210, %broadcast_in_dim3A_220 : vector<16xi1>, vector<16xf32>
      %add3A_222 = arith.addf %add3A_186, %select_n3A_221 : vector<16xf32>
      %broadcast_in_dim3A_223 = arith.constant 5 : i32
      %broadcast_in_dim3A_224 = vector.broadcast %broadcast_in_dim3A_223 : i32 to vector<16xi32>
      %lt3A_225 = arith.constant 0 : i32
      %lt3A_226 = vector.broadcast %lt3A_225 : i32 to vector<16xi32>
      %lt3A_227 = arith.cmpi slt, %broadcast_in_dim3A_224, %lt3A_226 : vector<16xi32>
      %add3A_228 = arith.constant 16 : i32
      %add3A_229 = vector.broadcast %add3A_228 : i32 to vector<16xi32>
      %add3A_230 = arith.addi %broadcast_in_dim3A_224, %add3A_229 : vector<16xi32>
      %select_n3A_231 = arith.select %lt3A_227, %add3A_230, %broadcast_in_dim3A_224 : vector<16xi1>, vector<16xi32>
      %broadcast_in_dim3A_232 = vector.shape_cast %select_n3A_231 : vector<16xi32> to vector<16x1xi32>
      %gather3A_233 = vector.shape_cast %broadcast_in_dim3A_232 : vector<16x1xi32> to vector<16xi32>
      %gather3A_234 = tpu.dynamic_gather %get3A_42[%gather3A_233] in [0] : vector<16xf32>, vector<16xi32> -> vector<16xf32>
      %broadcast_in_dim3A_235 = arith.constant 5 : i32
      %broadcast_in_dim3A_236 = vector.broadcast %broadcast_in_dim3A_235 : i32 to vector<16xi32>
      %lt3A_237 = arith.constant 0 : i32
      %lt3A_238 = vector.broadcast %lt3A_237 : i32 to vector<16xi32>
      %lt3A_239 = arith.cmpi slt, %broadcast_in_dim3A_236, %lt3A_238 : vector<16xi32>
      %add3A_240 = arith.constant 16 : i32
      %add3A_241 = vector.broadcast %add3A_240 : i32 to vector<16xi32>
      %add3A_242 = arith.addi %broadcast_in_dim3A_236, %add3A_241 : vector<16xi32>
      %select_n3A_243 = arith.select %lt3A_239, %add3A_242, %broadcast_in_dim3A_236 : vector<16xi1>, vector<16xi32>
      %broadcast_in_dim3A_244 = vector.shape_cast %select_n3A_243 : vector<16xi32> to vector<16x1xi32>
      %gather3A_245 = vector.shape_cast %broadcast_in_dim3A_244 : vector<16x1xi32> to vector<16xi32>
      %gather3A_246 = tpu.dynamic_gather %get3A_47[%gather3A_245] in [0] : vector<16xf32>, vector<16xi32> -> vector<16xf32>
      %lt3A_247 = arith.cmpf olt, %gather3A_234, %get3A_21 : vector<16xf32>
      %eq3A_248 = arith.cmpf oeq, %gather3A_234, %get3A_21 : vector<16xf32>
      %add3A_249 = arith.constant 5 : i32
      %add3A_250 = arith.addi %mul3A_49, %add3A_249 : i32
      %lt3A_251 = vector.broadcast %add3A_250 : i32 to vector<16xi32>
      %lt3A_252 = arith.cmpi slt, %lt3A_251, %add3A_23 : vector<16xi32>
      %and3A_253 = arith.andi %eq3A_248, %lt3A_252 : vector<16xi1>
      %or3A_254 = arith.ori %lt3A_247, %and3A_253 : vector<16xi1>
      %jit3A_255 = arith.constant 0.000000e+00 : f32
      %broadcast_in_dim3A_256 = vector.broadcast %jit3A_255 : f32 to vector<16xf32>
      %select_n3A_257 = arith.select %or3A_254, %gather3A_246, %broadcast_in_dim3A_256 : vector<16xi1>, vector<16xf32>
      %add3A_258 = arith.addf %add3A_222, %select_n3A_257 : vector<16xf32>
      %broadcast_in_dim3A_259 = arith.constant 6 : i32
      %broadcast_in_dim3A_260 = vector.broadcast %broadcast_in_dim3A_259 : i32 to vector<16xi32>
      %lt3A_261 = arith.constant 0 : i32
      %lt3A_262 = vector.broadcast %lt3A_261 : i32 to vector<16xi32>
      %lt3A_263 = arith.cmpi slt, %broadcast_in_dim3A_260, %lt3A_262 : vector<16xi32>
      %add3A_264 = arith.constant 16 : i32
      %add3A_265 = vector.broadcast %add3A_264 : i32 to vector<16xi32>
      %add3A_266 = arith.addi %broadcast_in_dim3A_260, %add3A_265 : vector<16xi32>
      %select_n3A_267 = arith.select %lt3A_263, %add3A_266, %broadcast_in_dim3A_260 : vector<16xi1>, vector<16xi32>
      %broadcast_in_dim3A_268 = vector.shape_cast %select_n3A_267 : vector<16xi32> to vector<16x1xi32>
      %gather3A_269 = vector.shape_cast %broadcast_in_dim3A_268 : vector<16x1xi32> to vector<16xi32>
      %gather3A_270 = tpu.dynamic_gather %get3A_42[%gather3A_269] in [0] : vector<16xf32>, vector<16xi32> -> vector<16xf32>
      %broadcast_in_dim3A_271 = arith.constant 6 : i32
      %broadcast_in_dim3A_272 = vector.broadcast %broadcast_in_dim3A_271 : i32 to vector<16xi32>
      %lt3A_273 = arith.constant 0 : i32
      %lt3A_274 = vector.broadcast %lt3A_273 : i32 to vector<16xi32>
      %lt3A_275 = arith.cmpi slt, %broadcast_in_dim3A_272, %lt3A_274 : vector<16xi32>
      %add3A_276 = arith.constant 16 : i32
      %add3A_277 = vector.broadcast %add3A_276 : i32 to vector<16xi32>
      %add3A_278 = arith.addi %broadcast_in_dim3A_272, %add3A_277 : vector<16xi32>
      %select_n3A_279 = arith.select %lt3A_275, %add3A_278, %broadcast_in_dim3A_272 : vector<16xi1>, vector<16xi32>
      %broadcast_in_dim3A_280 = vector.shape_cast %select_n3A_279 : vector<16xi32> to vector<16x1xi32>
      %gather3A_281 = vector.shape_cast %broadcast_in_dim3A_280 : vector<16x1xi32> to vector<16xi32>
      %gather3A_282 = tpu.dynamic_gather %get3A_47[%gather3A_281] in [0] : vector<16xf32>, vector<16xi32> -> vector<16xf32>
      %lt3A_283 = arith.cmpf olt, %gather3A_270, %get3A_21 : vector<16xf32>
      %eq3A_284 = arith.cmpf oeq, %gather3A_270, %get3A_21 : vector<16xf32>
      %add3A_285 = arith.constant 6 : i32
      %add3A_286 = arith.addi %mul3A_49, %add3A_285 : i32
      %lt3A_287 = vector.broadcast %add3A_286 : i32 to vector<16xi32>
      %lt3A_288 = arith.cmpi slt, %lt3A_287, %add3A_23 : vector<16xi32>
      %and3A_289 = arith.andi %eq3A_284, %lt3A_288 : vector<16xi1>
      %or3A_290 = arith.ori %lt3A_283, %and3A_289 : vector<16xi1>
      %jit3A_291 = arith.constant 0.000000e+00 : f32
      %broadcast_in_dim3A_292 = vector.broadcast %jit3A_291 : f32 to vector<16xf32>
      %select_n3A_293 = arith.select %or3A_290, %gather3A_282, %broadcast_in_dim3A_292 : vector<16xi1>, vector<16xf32>
      %add3A_294 = arith.addf %add3A_258, %select_n3A_293 : vector<16xf32>
      %broadcast_in_dim3A_295 = arith.constant 7 : i32
      %broadcast_in_dim3A_296 = vector.broadcast %broadcast_in_dim3A_295 : i32 to vector<16xi32>
      %lt3A_297 = arith.constant 0 : i32
      %lt3A_298 = vector.broadcast %lt3A_297 : i32 to vector<16xi32>
      %lt3A_299 = arith.cmpi slt, %broadcast_in_dim3A_296, %lt3A_298 : vector<16xi32>
      %add3A_300 = arith.constant 16 : i32
      %add3A_301 = vector.broadcast %add3A_300 : i32 to vector<16xi32>
      %add3A_302 = arith.addi %broadcast_in_dim3A_296, %add3A_301 : vector<16xi32>
      %select_n3A_303 = arith.select %lt3A_299, %add3A_302, %broadcast_in_dim3A_296 : vector<16xi1>, vector<16xi32>
      %broadcast_in_dim3A_304 = vector.shape_cast %select_n3A_303 : vector<16xi32> to vector<16x1xi32>
      %gather3A_305 = vector.shape_cast %broadcast_in_dim3A_304 : vector<16x1xi32> to vector<16xi32>
      %gather3A_306 = tpu.dynamic_gather %get3A_42[%gather3A_305] in [0] : vector<16xf32>, vector<16xi32> -> vector<16xf32>
      %broadcast_in_dim3A_307 = arith.constant 7 : i32
      %broadcast_in_dim3A_308 = vector.broadcast %broadcast_in_dim3A_307 : i32 to vector<16xi32>
      %lt3A_309 = arith.constant 0 : i32
      %lt3A_310 = vector.broadcast %lt3A_309 : i32 to vector<16xi32>
      %lt3A_311 = arith.cmpi slt, %broadcast_in_dim3A_308, %lt3A_310 : vector<16xi32>
      %add3A_312 = arith.constant 16 : i32
      %add3A_313 = vector.broadcast %add3A_312 : i32 to vector<16xi32>
      %add3A_314 = arith.addi %broadcast_in_dim3A_308, %add3A_313 : vector<16xi32>
      %select_n3A_315 = arith.select %lt3A_311, %add3A_314, %broadcast_in_dim3A_308 : vector<16xi1>, vector<16xi32>
      %broadcast_in_dim3A_316 = vector.shape_cast %select_n3A_315 : vector<16xi32> to vector<16x1xi32>
      %gather3A_317 = vector.shape_cast %broadcast_in_dim3A_316 : vector<16x1xi32> to vector<16xi32>
      %gather3A_318 = tpu.dynamic_gather %get3A_47[%gather3A_317] in [0] : vector<16xf32>, vector<16xi32> -> vector<16xf32>
      %lt3A_319 = arith.cmpf olt, %gather3A_306, %get3A_21 : vector<16xf32>
      %eq3A_320 = arith.cmpf oeq, %gather3A_306, %get3A_21 : vector<16xf32>
      %add3A_321 = arith.constant 7 : i32
      %add3A_322 = arith.addi %mul3A_49, %add3A_321 : i32
      %lt3A_323 = vector.broadcast %add3A_322 : i32 to vector<16xi32>
      %lt3A_324 = arith.cmpi slt, %lt3A_323, %add3A_23 : vector<16xi32>
      %and3A_325 = arith.andi %eq3A_320, %lt3A_324 : vector<16xi1>
      %or3A_326 = arith.ori %lt3A_319, %and3A_325 : vector<16xi1>
      %jit3A_327 = arith.constant 0.000000e+00 : f32
      %broadcast_in_dim3A_328 = vector.broadcast %jit3A_327 : f32 to vector<16xf32>
      %select_n3A_329 = arith.select %or3A_326, %gather3A_318, %broadcast_in_dim3A_328 : vector<16xi1>, vector<16xf32>
      %add3A_330 = arith.addf %add3A_294, %select_n3A_329 : vector<16xf32>
      %broadcast_in_dim3A_331 = arith.constant 8 : i32
      %broadcast_in_dim3A_332 = vector.broadcast %broadcast_in_dim3A_331 : i32 to vector<16xi32>
      %lt3A_333 = arith.constant 0 : i32
      %lt3A_334 = vector.broadcast %lt3A_333 : i32 to vector<16xi32>
      %lt3A_335 = arith.cmpi slt, %broadcast_in_dim3A_332, %lt3A_334 : vector<16xi32>
      %add3A_336 = arith.constant 16 : i32
      %add3A_337 = vector.broadcast %add3A_336 : i32 to vector<16xi32>
      %add3A_338 = arith.addi %broadcast_in_dim3A_332, %add3A_337 : vector<16xi32>
      %select_n3A_339 = arith.select %lt3A_335, %add3A_338, %broadcast_in_dim3A_332 : vector<16xi1>, vector<16xi32>
      %broadcast_in_dim3A_340 = vector.shape_cast %select_n3A_339 : vector<16xi32> to vector<16x1xi32>
      %gather3A_341 = vector.shape_cast %broadcast_in_dim3A_340 : vector<16x1xi32> to vector<16xi32>
      %gather3A_342 = tpu.dynamic_gather %get3A_42[%gather3A_341] in [0] : vector<16xf32>, vector<16xi32> -> vector<16xf32>
      %broadcast_in_dim3A_343 = arith.constant 8 : i32
      %broadcast_in_dim3A_344 = vector.broadcast %broadcast_in_dim3A_343 : i32 to vector<16xi32>
      %lt3A_345 = arith.constant 0 : i32
      %lt3A_346 = vector.broadcast %lt3A_345 : i32 to vector<16xi32>
      %lt3A_347 = arith.cmpi slt, %broadcast_in_dim3A_344, %lt3A_346 : vector<16xi32>
      %add3A_348 = arith.constant 16 : i32
      %add3A_349 = vector.broadcast %add3A_348 : i32 to vector<16xi32>
      %add3A_350 = arith.addi %broadcast_in_dim3A_344, %add3A_349 : vector<16xi32>
      %select_n3A_351 = arith.select %lt3A_347, %add3A_350, %broadcast_in_dim3A_344 : vector<16xi1>, vector<16xi32>
      %broadcast_in_dim3A_352 = vector.shape_cast %select_n3A_351 : vector<16xi32> to vector<16x1xi32>
      %gather3A_353 = vector.shape_cast %broadcast_in_dim3A_352 : vector<16x1xi32> to vector<16xi32>
      %gather3A_354 = tpu.dynamic_gather %get3A_47[%gather3A_353] in [0] : vector<16xf32>, vector<16xi32> -> vector<16xf32>
      %lt3A_355 = arith.cmpf olt, %gather3A_342, %get3A_21 : vector<16xf32>
      %eq3A_356 = arith.cmpf oeq, %gather3A_342, %get3A_21 : vector<16xf32>
      %add3A_357 = arith.constant 8 : i32
      %add3A_358 = arith.addi %mul3A_49, %add3A_357 : i32
      %lt3A_359 = vector.broadcast %add3A_358 : i32 to vector<16xi32>
      %lt3A_360 = arith.cmpi slt, %lt3A_359, %add3A_23 : vector<16xi32>
      %and3A_361 = arith.andi %eq3A_356, %lt3A_360 : vector<16xi1>
      %or3A_362 = arith.ori %lt3A_355, %and3A_361 : vector<16xi1>
      %jit3A_363 = arith.constant 0.000000e+00 : f32
      %broadcast_in_dim3A_364 = vector.broadcast %jit3A_363 : f32 to vector<16xf32>
      %select_n3A_365 = arith.select %or3A_362, %gather3A_354, %broadcast_in_dim3A_364 : vector<16xi1>, vector<16xf32>
      %add3A_366 = arith.addf %add3A_330, %select_n3A_365 : vector<16xf32>
      %broadcast_in_dim3A_367 = arith.constant 9 : i32
      %broadcast_in_dim3A_368 = vector.broadcast %broadcast_in_dim3A_367 : i32 to vector<16xi32>
      %lt3A_369 = arith.constant 0 : i32
      %lt3A_370 = vector.broadcast %lt3A_369 : i32 to vector<16xi32>
      %lt3A_371 = arith.cmpi slt, %broadcast_in_dim3A_368, %lt3A_370 : vector<16xi32>
      %add3A_372 = arith.constant 16 : i32
      %add3A_373 = vector.broadcast %add3A_372 : i32 to vector<16xi32>
      %add3A_374 = arith.addi %broadcast_in_dim3A_368, %add3A_373 : vector<16xi32>
      %select_n3A_375 = arith.select %lt3A_371, %add3A_374, %broadcast_in_dim3A_368 : vector<16xi1>, vector<16xi32>
      %broadcast_in_dim3A_376 = vector.shape_cast %select_n3A_375 : vector<16xi32> to vector<16x1xi32>
      %gather3A_377 = vector.shape_cast %broadcast_in_dim3A_376 : vector<16x1xi32> to vector<16xi32>
      %gather3A_378 = tpu.dynamic_gather %get3A_42[%gather3A_377] in [0] : vector<16xf32>, vector<16xi32> -> vector<16xf32>
      %broadcast_in_dim3A_379 = arith.constant 9 : i32
      %broadcast_in_dim3A_380 = vector.broadcast %broadcast_in_dim3A_379 : i32 to vector<16xi32>
      %lt3A_381 = arith.constant 0 : i32
      %lt3A_382 = vector.broadcast %lt3A_381 : i32 to vector<16xi32>
      %lt3A_383 = arith.cmpi slt, %broadcast_in_dim3A_380, %lt3A_382 : vector<16xi32>
      %add3A_384 = arith.constant 16 : i32
      %add3A_385 = vector.broadcast %add3A_384 : i32 to vector<16xi32>
      %add3A_386 = arith.addi %broadcast_in_dim3A_380, %add3A_385 : vector<16xi32>
      %select_n3A_387 = arith.select %lt3A_383, %add3A_386, %broadcast_in_dim3A_380 : vector<16xi1>, vector<16xi32>
      %broadcast_in_dim3A_388 = vector.shape_cast %select_n3A_387 : vector<16xi32> to vector<16x1xi32>
      %gather3A_389 = vector.shape_cast %broadcast_in_dim3A_388 : vector<16x1xi32> to vector<16xi32>
      %gather3A_390 = tpu.dynamic_gather %get3A_47[%gather3A_389] in [0] : vector<16xf32>, vector<16xi32> -> vector<16xf32>
      %lt3A_391 = arith.cmpf olt, %gather3A_378, %get3A_21 : vector<16xf32>
      %eq3A_392 = arith.cmpf oeq, %gather3A_378, %get3A_21 : vector<16xf32>
      %add3A_393 = arith.constant 9 : i32
      %add3A_394 = arith.addi %mul3A_49, %add3A_393 : i32
      %lt3A_395 = vector.broadcast %add3A_394 : i32 to vector<16xi32>
      %lt3A_396 = arith.cmpi slt, %lt3A_395, %add3A_23 : vector<16xi32>
      %and3A_397 = arith.andi %eq3A_392, %lt3A_396 : vector<16xi1>
      %or3A_398 = arith.ori %lt3A_391, %and3A_397 : vector<16xi1>
      %jit3A_399 = arith.constant 0.000000e+00 : f32
      %broadcast_in_dim3A_400 = vector.broadcast %jit3A_399 : f32 to vector<16xf32>
      %select_n3A_401 = arith.select %or3A_398, %gather3A_390, %broadcast_in_dim3A_400 : vector<16xi1>, vector<16xf32>
      %add3A_402 = arith.addf %add3A_366, %select_n3A_401 : vector<16xf32>
      %broadcast_in_dim3A_403 = arith.constant 10 : i32
      %broadcast_in_dim3A_404 = vector.broadcast %broadcast_in_dim3A_403 : i32 to vector<16xi32>
      %lt3A_405 = arith.constant 0 : i32
      %lt3A_406 = vector.broadcast %lt3A_405 : i32 to vector<16xi32>
      %lt3A_407 = arith.cmpi slt, %broadcast_in_dim3A_404, %lt3A_406 : vector<16xi32>
      %add3A_408 = arith.constant 16 : i32
      %add3A_409 = vector.broadcast %add3A_408 : i32 to vector<16xi32>
      %add3A_410 = arith.addi %broadcast_in_dim3A_404, %add3A_409 : vector<16xi32>
      %select_n3A_411 = arith.select %lt3A_407, %add3A_410, %broadcast_in_dim3A_404 : vector<16xi1>, vector<16xi32>
      %broadcast_in_dim3A_412 = vector.shape_cast %select_n3A_411 : vector<16xi32> to vector<16x1xi32>
      %gather3A_413 = vector.shape_cast %broadcast_in_dim3A_412 : vector<16x1xi32> to vector<16xi32>
      %gather3A_414 = tpu.dynamic_gather %get3A_42[%gather3A_413] in [0] : vector<16xf32>, vector<16xi32> -> vector<16xf32>
      %broadcast_in_dim3A_415 = arith.constant 10 : i32
      %broadcast_in_dim3A_416 = vector.broadcast %broadcast_in_dim3A_415 : i32 to vector<16xi32>
      %lt3A_417 = arith.constant 0 : i32
      %lt3A_418 = vector.broadcast %lt3A_417 : i32 to vector<16xi32>
      %lt3A_419 = arith.cmpi slt, %broadcast_in_dim3A_416, %lt3A_418 : vector<16xi32>
      %add3A_420 = arith.constant 16 : i32
      %add3A_421 = vector.broadcast %add3A_420 : i32 to vector<16xi32>
      %add3A_422 = arith.addi %broadcast_in_dim3A_416, %add3A_421 : vector<16xi32>
      %select_n3A_423 = arith.select %lt3A_419, %add3A_422, %broadcast_in_dim3A_416 : vector<16xi1>, vector<16xi32>
      %broadcast_in_dim3A_424 = vector.shape_cast %select_n3A_423 : vector<16xi32> to vector<16x1xi32>
      %gather3A_425 = vector.shape_cast %broadcast_in_dim3A_424 : vector<16x1xi32> to vector<16xi32>
      %gather3A_426 = tpu.dynamic_gather %get3A_47[%gather3A_425] in [0] : vector<16xf32>, vector<16xi32> -> vector<16xf32>
      %lt3A_427 = arith.cmpf olt, %gather3A_414, %get3A_21 : vector<16xf32>
      %eq3A_428 = arith.cmpf oeq, %gather3A_414, %get3A_21 : vector<16xf32>
      %add3A_429 = arith.constant 10 : i32
      %add3A_430 = arith.addi %mul3A_49, %add3A_429 : i32
      %lt3A_431 = vector.broadcast %add3A_430 : i32 to vector<16xi32>
      %lt3A_432 = arith.cmpi slt, %lt3A_431, %add3A_23 : vector<16xi32>
      %and3A_433 = arith.andi %eq3A_428, %lt3A_432 : vector<16xi1>
      %or3A_434 = arith.ori %lt3A_427, %and3A_433 : vector<16xi1>
      %jit3A_435 = arith.constant 0.000000e+00 : f32
      %broadcast_in_dim3A_436 = vector.broadcast %jit3A_435 : f32 to vector<16xf32>
      %select_n3A_437 = arith.select %or3A_434, %gather3A_426, %broadcast_in_dim3A_436 : vector<16xi1>, vector<16xf32>
      %add3A_438 = arith.addf %add3A_402, %select_n3A_437 : vector<16xf32>
      %broadcast_in_dim3A_439 = arith.constant 11 : i32
      %broadcast_in_dim3A_440 = vector.broadcast %broadcast_in_dim3A_439 : i32 to vector<16xi32>
      %lt3A_441 = arith.constant 0 : i32
      %lt3A_442 = vector.broadcast %lt3A_441 : i32 to vector<16xi32>
      %lt3A_443 = arith.cmpi slt, %broadcast_in_dim3A_440, %lt3A_442 : vector<16xi32>
      %add3A_444 = arith.constant 16 : i32
      %add3A_445 = vector.broadcast %add3A_444 : i32 to vector<16xi32>
      %add3A_446 = arith.addi %broadcast_in_dim3A_440, %add3A_445 : vector<16xi32>
      %select_n3A_447 = arith.select %lt3A_443, %add3A_446, %broadcast_in_dim3A_440 : vector<16xi1>, vector<16xi32>
      %broadcast_in_dim3A_448 = vector.shape_cast %select_n3A_447 : vector<16xi32> to vector<16x1xi32>
      %gather3A_449 = vector.shape_cast %broadcast_in_dim3A_448 : vector<16x1xi32> to vector<16xi32>
      %gather3A_450 = tpu.dynamic_gather %get3A_42[%gather3A_449] in [0] : vector<16xf32>, vector<16xi32> -> vector<16xf32>
      %broadcast_in_dim3A_451 = arith.constant 11 : i32
      %broadcast_in_dim3A_452 = vector.broadcast %broadcast_in_dim3A_451 : i32 to vector<16xi32>
      %lt3A_453 = arith.constant 0 : i32
      %lt3A_454 = vector.broadcast %lt3A_453 : i32 to vector<16xi32>
      %lt3A_455 = arith.cmpi slt, %broadcast_in_dim3A_452, %lt3A_454 : vector<16xi32>
      %add3A_456 = arith.constant 16 : i32
      %add3A_457 = vector.broadcast %add3A_456 : i32 to vector<16xi32>
      %add3A_458 = arith.addi %broadcast_in_dim3A_452, %add3A_457 : vector<16xi32>
      %select_n3A_459 = arith.select %lt3A_455, %add3A_458, %broadcast_in_dim3A_452 : vector<16xi1>, vector<16xi32>
      %broadcast_in_dim3A_460 = vector.shape_cast %select_n3A_459 : vector<16xi32> to vector<16x1xi32>
      %gather3A_461 = vector.shape_cast %broadcast_in_dim3A_460 : vector<16x1xi32> to vector<16xi32>
      %gather3A_462 = tpu.dynamic_gather %get3A_47[%gather3A_461] in [0] : vector<16xf32>, vector<16xi32> -> vector<16xf32>
      %lt3A_463 = arith.cmpf olt, %gather3A_450, %get3A_21 : vector<16xf32>
      %eq3A_464 = arith.cmpf oeq, %gather3A_450, %get3A_21 : vector<16xf32>
      %add3A_465 = arith.constant 11 : i32
      %add3A_466 = arith.addi %mul3A_49, %add3A_465 : i32
      %lt3A_467 = vector.broadcast %add3A_466 : i32 to vector<16xi32>
      %lt3A_468 = arith.cmpi slt, %lt3A_467, %add3A_23 : vector<16xi32>
      %and3A_469 = arith.andi %eq3A_464, %lt3A_468 : vector<16xi1>
      %or3A_470 = arith.ori %lt3A_463, %and3A_469 : vector<16xi1>
      %jit3A_471 = arith.constant 0.000000e+00 : f32
      %broadcast_in_dim3A_472 = vector.broadcast %jit3A_471 : f32 to vector<16xf32>
      %select_n3A_473 = arith.select %or3A_470, %gather3A_462, %broadcast_in_dim3A_472 : vector<16xi1>, vector<16xf32>
      %add3A_474 = arith.addf %add3A_438, %select_n3A_473 : vector<16xf32>
      %broadcast_in_dim3A_475 = arith.constant 12 : i32
      %broadcast_in_dim3A_476 = vector.broadcast %broadcast_in_dim3A_475 : i32 to vector<16xi32>
      %lt3A_477 = arith.constant 0 : i32
      %lt3A_478 = vector.broadcast %lt3A_477 : i32 to vector<16xi32>
      %lt3A_479 = arith.cmpi slt, %broadcast_in_dim3A_476, %lt3A_478 : vector<16xi32>
      %add3A_480 = arith.constant 16 : i32
      %add3A_481 = vector.broadcast %add3A_480 : i32 to vector<16xi32>
      %add3A_482 = arith.addi %broadcast_in_dim3A_476, %add3A_481 : vector<16xi32>
      %select_n3A_483 = arith.select %lt3A_479, %add3A_482, %broadcast_in_dim3A_476 : vector<16xi1>, vector<16xi32>
      %broadcast_in_dim3A_484 = vector.shape_cast %select_n3A_483 : vector<16xi32> to vector<16x1xi32>
      %gather3A_485 = vector.shape_cast %broadcast_in_dim3A_484 : vector<16x1xi32> to vector<16xi32>
      %gather3A_486 = tpu.dynamic_gather %get3A_42[%gather3A_485] in [0] : vector<16xf32>, vector<16xi32> -> vector<16xf32>
      %broadcast_in_dim3A_487 = arith.constant 12 : i32
      %broadcast_in_dim3A_488 = vector.broadcast %broadcast_in_dim3A_487 : i32 to vector<16xi32>
      %lt3A_489 = arith.constant 0 : i32
      %lt3A_490 = vector.broadcast %lt3A_489 : i32 to vector<16xi32>
      %lt3A_491 = arith.cmpi slt, %broadcast_in_dim3A_488, %lt3A_490 : vector<16xi32>
      %add3A_492 = arith.constant 16 : i32
      %add3A_493 = vector.broadcast %add3A_492 : i32 to vector<16xi32>
      %add3A_494 = arith.addi %broadcast_in_dim3A_488, %add3A_493 : vector<16xi32>
      %select_n3A_495 = arith.select %lt3A_491, %add3A_494, %broadcast_in_dim3A_488 : vector<16xi1>, vector<16xi32>
      %broadcast_in_dim3A_496 = vector.shape_cast %select_n3A_495 : vector<16xi32> to vector<16x1xi32>
      %gather3A_497 = vector.shape_cast %broadcast_in_dim3A_496 : vector<16x1xi32> to vector<16xi32>
      %gather3A_498 = tpu.dynamic_gather %get3A_47[%gather3A_497] in [0] : vector<16xf32>, vector<16xi32> -> vector<16xf32>
      %lt3A_499 = arith.cmpf olt, %gather3A_486, %get3A_21 : vector<16xf32>
      %eq3A_500 = arith.cmpf oeq, %gather3A_486, %get3A_21 : vector<16xf32>
      %add3A_501 = arith.constant 12 : i32
      %add3A_502 = arith.addi %mul3A_49, %add3A_501 : i32
      %lt3A_503 = vector.broadcast %add3A_502 : i32 to vector<16xi32>
      %lt3A_504 = arith.cmpi slt, %lt3A_503, %add3A_23 : vector<16xi32>
      %and3A_505 = arith.andi %eq3A_500, %lt3A_504 : vector<16xi1>
      %or3A_506 = arith.ori %lt3A_499, %and3A_505 : vector<16xi1>
      %jit3A_507 = arith.constant 0.000000e+00 : f32
      %broadcast_in_dim3A_508 = vector.broadcast %jit3A_507 : f32 to vector<16xf32>
      %select_n3A_509 = arith.select %or3A_506, %gather3A_498, %broadcast_in_dim3A_508 : vector<16xi1>, vector<16xf32>
      %add3A_510 = arith.addf %add3A_474, %select_n3A_509 : vector<16xf32>
      %broadcast_in_dim3A_511 = arith.constant 13 : i32
      %broadcast_in_dim3A_512 = vector.broadcast %broadcast_in_dim3A_511 : i32 to vector<16xi32>
      %lt3A_513 = arith.constant 0 : i32
      %lt3A_514 = vector.broadcast %lt3A_513 : i32 to vector<16xi32>
      %lt3A_515 = arith.cmpi slt, %broadcast_in_dim3A_512, %lt3A_514 : vector<16xi32>
      %add3A_516 = arith.constant 16 : i32
      %add3A_517 = vector.broadcast %add3A_516 : i32 to vector<16xi32>
      %add3A_518 = arith.addi %broadcast_in_dim3A_512, %add3A_517 : vector<16xi32>
      %select_n3A_519 = arith.select %lt3A_515, %add3A_518, %broadcast_in_dim3A_512 : vector<16xi1>, vector<16xi32>
      %broadcast_in_dim3A_520 = vector.shape_cast %select_n3A_519 : vector<16xi32> to vector<16x1xi32>
      %gather3A_521 = vector.shape_cast %broadcast_in_dim3A_520 : vector<16x1xi32> to vector<16xi32>
      %gather3A_522 = tpu.dynamic_gather %get3A_42[%gather3A_521] in [0] : vector<16xf32>, vector<16xi32> -> vector<16xf32>
      %broadcast_in_dim3A_523 = arith.constant 13 : i32
      %broadcast_in_dim3A_524 = vector.broadcast %broadcast_in_dim3A_523 : i32 to vector<16xi32>
      %lt3A_525 = arith.constant 0 : i32
      %lt3A_526 = vector.broadcast %lt3A_525 : i32 to vector<16xi32>
      %lt3A_527 = arith.cmpi slt, %broadcast_in_dim3A_524, %lt3A_526 : vector<16xi32>
      %add3A_528 = arith.constant 16 : i32
      %add3A_529 = vector.broadcast %add3A_528 : i32 to vector<16xi32>
      %add3A_530 = arith.addi %broadcast_in_dim3A_524, %add3A_529 : vector<16xi32>
      %select_n3A_531 = arith.select %lt3A_527, %add3A_530, %broadcast_in_dim3A_524 : vector<16xi1>, vector<16xi32>
      %broadcast_in_dim3A_532 = vector.shape_cast %select_n3A_531 : vector<16xi32> to vector<16x1xi32>
      %gather3A_533 = vector.shape_cast %broadcast_in_dim3A_532 : vector<16x1xi32> to vector<16xi32>
      %gather3A_534 = tpu.dynamic_gather %get3A_47[%gather3A_533] in [0] : vector<16xf32>, vector<16xi32> -> vector<16xf32>
      %lt3A_535 = arith.cmpf olt, %gather3A_522, %get3A_21 : vector<16xf32>
      %eq3A_536 = arith.cmpf oeq, %gather3A_522, %get3A_21 : vector<16xf32>
      %add3A_537 = arith.constant 13 : i32
      %add3A_538 = arith.addi %mul3A_49, %add3A_537 : i32
      %lt3A_539 = vector.broadcast %add3A_538 : i32 to vector<16xi32>
      %lt3A_540 = arith.cmpi slt, %lt3A_539, %add3A_23 : vector<16xi32>
      %and3A_541 = arith.andi %eq3A_536, %lt3A_540 : vector<16xi1>
      %or3A_542 = arith.ori %lt3A_535, %and3A_541 : vector<16xi1>
      %jit3A_543 = arith.constant 0.000000e+00 : f32
      %broadcast_in_dim3A_544 = vector.broadcast %jit3A_543 : f32 to vector<16xf32>
      %select_n3A_545 = arith.select %or3A_542, %gather3A_534, %broadcast_in_dim3A_544 : vector<16xi1>, vector<16xf32>
      %add3A_546 = arith.addf %add3A_510, %select_n3A_545 : vector<16xf32>
      %broadcast_in_dim3A_547 = arith.constant 14 : i32
      %broadcast_in_dim3A_548 = vector.broadcast %broadcast_in_dim3A_547 : i32 to vector<16xi32>
      %lt3A_549 = arith.constant 0 : i32
      %lt3A_550 = vector.broadcast %lt3A_549 : i32 to vector<16xi32>
      %lt3A_551 = arith.cmpi slt, %broadcast_in_dim3A_548, %lt3A_550 : vector<16xi32>
      %add3A_552 = arith.constant 16 : i32
      %add3A_553 = vector.broadcast %add3A_552 : i32 to vector<16xi32>
      %add3A_554 = arith.addi %broadcast_in_dim3A_548, %add3A_553 : vector<16xi32>
      %select_n3A_555 = arith.select %lt3A_551, %add3A_554, %broadcast_in_dim3A_548 : vector<16xi1>, vector<16xi32>
      %broadcast_in_dim3A_556 = vector.shape_cast %select_n3A_555 : vector<16xi32> to vector<16x1xi32>
      %gather3A_557 = vector.shape_cast %broadcast_in_dim3A_556 : vector<16x1xi32> to vector<16xi32>
      %gather3A_558 = tpu.dynamic_gather %get3A_42[%gather3A_557] in [0] : vector<16xf32>, vector<16xi32> -> vector<16xf32>
      %broadcast_in_dim3A_559 = arith.constant 14 : i32
      %broadcast_in_dim3A_560 = vector.broadcast %broadcast_in_dim3A_559 : i32 to vector<16xi32>
      %lt3A_561 = arith.constant 0 : i32
      %lt3A_562 = vector.broadcast %lt3A_561 : i32 to vector<16xi32>
      %lt3A_563 = arith.cmpi slt, %broadcast_in_dim3A_560, %lt3A_562 : vector<16xi32>
      %add3A_564 = arith.constant 16 : i32
      %add3A_565 = vector.broadcast %add3A_564 : i32 to vector<16xi32>
      %add3A_566 = arith.addi %broadcast_in_dim3A_560, %add3A_565 : vector<16xi32>
      %select_n3A_567 = arith.select %lt3A_563, %add3A_566, %broadcast_in_dim3A_560 : vector<16xi1>, vector<16xi32>
      %broadcast_in_dim3A_568 = vector.shape_cast %select_n3A_567 : vector<16xi32> to vector<16x1xi32>
      %gather3A_569 = vector.shape_cast %broadcast_in_dim3A_568 : vector<16x1xi32> to vector<16xi32>
      %gather3A_570 = tpu.dynamic_gather %get3A_47[%gather3A_569] in [0] : vector<16xf32>, vector<16xi32> -> vector<16xf32>
      %lt3A_571 = arith.cmpf olt, %gather3A_558, %get3A_21 : vector<16xf32>
      %eq3A_572 = arith.cmpf oeq, %gather3A_558, %get3A_21 : vector<16xf32>
      %add3A_573 = arith.constant 14 : i32
      %add3A_574 = arith.addi %mul3A_49, %add3A_573 : i32
      %lt3A_575 = vector.broadcast %add3A_574 : i32 to vector<16xi32>
      %lt3A_576 = arith.cmpi slt, %lt3A_575, %add3A_23 : vector<16xi32>
      %and3A_577 = arith.andi %eq3A_572, %lt3A_576 : vector<16xi1>
      %or3A_578 = arith.ori %lt3A_571, %and3A_577 : vector<16xi1>
      %jit3A_579 = arith.constant 0.000000e+00 : f32
      %broadcast_in_dim3A_580 = vector.broadcast %jit3A_579 : f32 to vector<16xf32>
      %select_n3A_581 = arith.select %or3A_578, %gather3A_570, %broadcast_in_dim3A_580 : vector<16xi1>, vector<16xf32>
      %add3A_582 = arith.addf %add3A_546, %select_n3A_581 : vector<16xf32>
      %broadcast_in_dim3A_583 = arith.constant 15 : i32
      %broadcast_in_dim3A_584 = vector.broadcast %broadcast_in_dim3A_583 : i32 to vector<16xi32>
      %lt3A_585 = arith.constant 0 : i32
      %lt3A_586 = vector.broadcast %lt3A_585 : i32 to vector<16xi32>
      %lt3A_587 = arith.cmpi slt, %broadcast_in_dim3A_584, %lt3A_586 : vector<16xi32>
      %add3A_588 = arith.constant 16 : i32
      %add3A_589 = vector.broadcast %add3A_588 : i32 to vector<16xi32>
      %add3A_590 = arith.addi %broadcast_in_dim3A_584, %add3A_589 : vector<16xi32>
      %select_n3A_591 = arith.select %lt3A_587, %add3A_590, %broadcast_in_dim3A_584 : vector<16xi1>, vector<16xi32>
      %broadcast_in_dim3A_592 = vector.shape_cast %select_n3A_591 : vector<16xi32> to vector<16x1xi32>
      %gather3A_593 = vector.shape_cast %broadcast_in_dim3A_592 : vector<16x1xi32> to vector<16xi32>
      %gather3A_594 = tpu.dynamic_gather %get3A_42[%gather3A_593] in [0] : vector<16xf32>, vector<16xi32> -> vector<16xf32>
      %broadcast_in_dim3A_595 = arith.constant 15 : i32
      %broadcast_in_dim3A_596 = vector.broadcast %broadcast_in_dim3A_595 : i32 to vector<16xi32>
      %lt3A_597 = arith.constant 0 : i32
      %lt3A_598 = vector.broadcast %lt3A_597 : i32 to vector<16xi32>
      %lt3A_599 = arith.cmpi slt, %broadcast_in_dim3A_596, %lt3A_598 : vector<16xi32>
      %add3A_600 = arith.constant 16 : i32
      %add3A_601 = vector.broadcast %add3A_600 : i32 to vector<16xi32>
      %add3A_602 = arith.addi %broadcast_in_dim3A_596, %add3A_601 : vector<16xi32>
      %select_n3A_603 = arith.select %lt3A_599, %add3A_602, %broadcast_in_dim3A_596 : vector<16xi1>, vector<16xi32>
      %broadcast_in_dim3A_604 = vector.shape_cast %select_n3A_603 : vector<16xi32> to vector<16x1xi32>
      %gather3A_605 = vector.shape_cast %broadcast_in_dim3A_604 : vector<16x1xi32> to vector<16xi32>
      %gather3A_606 = tpu.dynamic_gather %get3A_47[%gather3A_605] in [0] : vector<16xf32>, vector<16xi32> -> vector<16xf32>
      %lt3A_607 = arith.cmpf olt, %gather3A_594, %get3A_21 : vector<16xf32>
      %eq3A_608 = arith.cmpf oeq, %gather3A_594, %get3A_21 : vector<16xf32>
      %add3A_609 = arith.constant 15 : i32
      %add3A_610 = arith.addi %mul3A_49, %add3A_609 : i32
      %lt3A_611 = vector.broadcast %add3A_610 : i32 to vector<16xi32>
      %lt3A_612 = arith.cmpi slt, %lt3A_611, %add3A_23 : vector<16xi32>
      %and3A_613 = arith.andi %eq3A_608, %lt3A_612 : vector<16xi1>
      %or3A_614 = arith.ori %lt3A_607, %and3A_613 : vector<16xi1>
      %jit3A_615 = arith.constant 0.000000e+00 : f32
      %broadcast_in_dim3A_616 = vector.broadcast %jit3A_615 : f32 to vector<16xf32>
      %select_n3A_617 = arith.select %or3A_614, %gather3A_606, %broadcast_in_dim3A_616 : vector<16xi1>, vector<16xf32>
      %add3A_618 = arith.addf %add3A_582, %select_n3A_617 : vector<16xf32>
      scf.yield %add3A_618 : vector<16xf32>
    }
    %scan3A_31 = arith.constant 32 : i32
    %swap3A_32 = arith.constant 16 : index
    %swap3A_33 = tpu.vector_load %arg7[%swap3A_32] {strides = array<i32>} : memref<32xf32, #tpu.memory_space<vmem>>, vector<16xf32>,
    %swap3A_34 = vector.shape_cast %swap3A_33 : vector<16xf32> to vector<16xf32>
    %swap3A_35 = vector.shape_cast %scan3A_30 : vector<16xf32> to vector<16xf32>
    tpu.vector_store %arg7[%swap3A_32], %swap3A_35 {strides = array<i32>} : memref<32xf32, #tpu.memory_space<vmem>>, vector<16xf32>,
    "tpu.region"() ({
      %run_scoped3A = tpu.sem_alloc : memref<!tpu.dma_semaphore, #tpu.memory_space<semaphore_mem>>
      %dma_start3A = tpu.memref_slice %arg4[%multiple_of3A] : memref<512xf32, #tpu.memory_space<hbm>> -> memref<32xf32, #tpu.memory_space<hbm>>
      %dma_start3A_36 = tpu.memref_slice %arg4[%multiple_of3A] : memref<512xf32, #tpu.memory_space<hbm>> -> memref<32xf32, #tpu.memory_space<hbm>>
      tpu.enqueue_dma source(%arg7 : memref<32xf32, #tpu.memory_space<vmem>>) target(%dma_start3A_36 : memref<32xf32, #tpu.memory_space<hbm>>) target_semaphore(%run_scoped3A : memref<!tpu.dma_semaphore, #tpu.memory_space<semaphore_mem>>)
      %dma_wait3A = tpu.memref_slice %arg4[%multiple_of3A] : memref<512xf32, #tpu.memory_space<hbm>> -> memref<32xf32, #tpu.memory_space<hbm>>
      %dma_wait3A_37 = tpu.memref_slice %arg4[%multiple_of3A] : memref<512xf32, #tpu.memory_space<hbm>> -> memref<32xf32, #tpu.memory_space<hbm>>
      tpu.wait_dma2 semaphore(%run_scoped3A : memref<!tpu.dma_semaphore, #tpu.memory_space<semaphore_mem>>) src(%arg7 : memref<32xf32, #tpu.memory_space<vmem>>) dst(%dma_wait3A_37 : memref<32xf32, #tpu.memory_space<hbm>>)
      tpu.yield
    }) : () -> ()
    return
  }
}

module attributes {stable_mosaic.version = 14 : i64} {
  func.func @_dense_body(%arg0: i32, %arg1: memref<4096x1xf32, #tpu.memory_space<vmem>>, %arg2: memref<16x128xf32, #tpu.memory_space<vmem>>, %arg3: memref<1x512xf32, #tpu.memory_space<vmem>>, %arg4: memref<1x512xf32, #tpu.memory_space<vmem>>, %arg5: memref<1x1xf32, #tpu.memory_space<vmem>>, %arg6: memref<4096x512xf32, #tpu.memory_space<vmem>>) attributes {dimension_semantics = [#tpu.dimension_semantics<arbitrary>], iteration_bounds = array<i64: 4>, scalar_prefetch = 0 : i64, scratch_operands = 0 : i64, tpu.core_type = #tpu.core_type<tc>, window_params = [{transform_indices = @transform_0, window_bounds = array<i64: 4096, 1>}, {pipeline_mode = #tpu.pipeline_mode<synchronous>, transform_indices = @transform_1, window_bounds = array<i64: 16, 128>}, {pipeline_mode = #tpu.pipeline_mode<synchronous>, transform_indices = @transform_2, window_bounds = array<i64: 1, 512>}, {pipeline_mode = #tpu.pipeline_mode<synchronous>, transform_indices = @transform_3, window_bounds = array<i64: 1, 512>}, {pipeline_mode = #tpu.pipeline_mode<synchronous>, transform_indices = @transform_4, window_bounds = array<i64: 1, 1>}, {transform_indices = @transform_5, window_bounds = array<i64: 4096, 512>}]} {
    %get3A = arith.constant 0 : index
    %get3A_0 = arith.constant 0 : index
    %get3A_1 = vector.load %arg2[%get3A, %get3A_0] : memref<16x128xf32, #tpu.memory_space<vmem>>, vector<16x128xf32>
    %reduce_sum3A = vector.shape_cast %get3A_1 : vector<16x128xf32> to vector<1x16x128xf32>
    %reduce_sum3A_2 = arith.constant dense<0.000000e+00> : vector<1xf32>
    %reduce_sum3A_3 = vector.multi_reduction <add>, %reduce_sum3A, %reduce_sum3A_2 [1, 2] : vector<1x16x128xf32> to vector<1xf32>
    %reduce_sum3A_4 = vector.shape_cast %reduce_sum3A_3 : vector<1xf32> to vector<1x1x1xf32>
    %reduce_sum3A_5 = vector.extract %reduce_sum3A_4[0, 0, 0] : f32 from vector<1x1x1xf32>
    %get3A_6 = arith.constant 0 : index
    %get3A_7 = arith.constant 0 : index
    %get3A_8 = vector.load %arg5[%get3A_6, %get3A_7] : memref<1x1xf32, #tpu.memory_space<vmem>>, vector<1x1xf32>
    %get3A_9 = vector.extract %get3A_8[0, 0] : f32 from vector<1x1xf32>
    %get3A_10 = arith.constant 0 : index
    %get3A_11 = arith.constant 0 : index
    %get3A_12 = vector.load %arg1[%get3A_10, %get3A_11] : memref<4096x1xf32, #tpu.memory_space<vmem>>, vector<4096x1xf32>
    %mul3A = vector.broadcast %get3A_9 : f32 to vector<4096x1xf32>
    %mul3A_13 = arith.mulf %mul3A, %get3A_12 : vector<4096x1xf32>
    %sub3A = vector.broadcast %reduce_sum3A_5 : f32 to vector<4096x1xf32>
    %sub3A_14 = arith.subf %sub3A, %mul3A_13 : vector<4096x1xf32>
    %get3A_15 = arith.constant 0 : index
    %get3A_16 = arith.constant 0 : index
    %get3A_17 = vector.load %arg3[%get3A_15, %get3A_16] : memref<1x512xf32, #tpu.memory_space<vmem>>, vector<1x512xf32>
    %sub3A_18 = vector.broadcast %sub3A_14 : vector<4096x1xf32> to vector<4096x512xf32>
    %sub3A_19 = vector.broadcast %get3A_17 : vector<1x512xf32> to vector<4096x512xf32>
    %sub3A_20 = arith.subf %sub3A_18, %sub3A_19 : vector<4096x512xf32>
    %get3A_21 = arith.constant 0 : index
    %get3A_22 = arith.constant 0 : index
    %get3A_23 = vector.load %arg4[%get3A_21, %get3A_22] : memref<1x512xf32, #tpu.memory_space<vmem>>, vector<1x512xf32>
    %jit3A = arith.constant 0.000000e+00 : f32
    %max3A = vector.broadcast %jit3A : f32 to vector<4096x512xf32>
    %max3A_24 = arith.maximumf %max3A, %sub3A_20 : vector<4096x512xf32>
    %min3A = vector.broadcast %get3A_23 : vector<1x512xf32> to vector<4096x512xf32>
    %min3A_25 = arith.minimumf %min3A, %max3A_24 : vector<4096x512xf32>
    %swap3A = arith.constant 0 : index
    %swap3A_26 = arith.constant 0 : index
    %swap3A_27 = vector.load %arg6[%swap3A, %swap3A_26] : memref<4096x512xf32, #tpu.memory_space<vmem>>, vector<4096x512xf32>
    tpu.vector_store %arg6[%swap3A, %swap3A_26], %min3A_25 {strides = array<i32>} : memref<4096x512xf32, #tpu.memory_space<vmem>>, vector<4096x512xf32>,
    return
  }
  func.func @transform_0(%arg0: i32) -> (i32, i32) {
    %c0_i32 = arith.constant 0 : i32
    %c0_i32_0 = arith.constant 0 : i32
    return %arg0, %c0_i32 : i32, i32
  }
  func.func @transform_1(%arg0: i32) -> (i32, i32) {
    %c0_i32 = arith.constant 0 : i32
    %c0_i32_0 = arith.constant 0 : i32
    %c0_i32_1 = arith.constant 0 : i32
    return %c0_i32, %c0_i32_0 : i32, i32
  }
  func.func @transform_2(%arg0: i32) -> (i32, i32) {
    %c0_i32 = arith.constant 0 : i32
    %c0_i32_0 = arith.constant 0 : i32
    %c0_i32_1 = arith.constant 0 : i32
    return %c0_i32, %c0_i32_0 : i32, i32
  }
  func.func @transform_3(%arg0: i32) -> (i32, i32) {
    %c0_i32 = arith.constant 0 : i32
    %c0_i32_0 = arith.constant 0 : i32
    %c0_i32_1 = arith.constant 0 : i32
    return %c0_i32, %c0_i32_0 : i32, i32
  }
  func.func @transform_4(%arg0: i32) -> (i32, i32) {
    %c0_i32 = arith.constant 0 : i32
    %c0_i32_0 = arith.constant 0 : i32
    %c0_i32_1 = arith.constant 0 : i32
    return %c0_i32, %c0_i32_0 : i32, i32
  }
  func.func @transform_5(%arg0: i32) -> (i32, i32) {
    %c0_i32 = arith.constant 0 : i32
    %c0_i32_0 = arith.constant 0 : i32
    return %arg0, %c0_i32 : i32, i32
  }
}

</mosaic_0001>

<sc_bundles>
// kernel: kernel.4.cloned.1.call-start
scs
__scs_entry_jumppad:
0x0: {  	(pc) =	sbr.rel $0x88, $3  }
0x1: {  	(tag) =	ssettag $0x0;
	lr =	simm.s32 $0x1  }
0x2: {  	[smem:$0x3F9C] =	sst lr;
	_ =	strace $0xD0000000  }
0x3: {  	_ = 	snop  }
0x4: {  	_ = 	snop  }
0x5: {  	_ = 	snop  }
0x6: {  	_ = 	snop  }
0x7: {  	_ = 	snop  }
__scs_overlays_trampoline_lowered:
0x8: {  	[smem:$0x3FAB] =	sst s0  }
0x9: {  	[smem:$0x3FAC] =	sst s1  }
0xa: {  	[smem:$0x3FAD] =	sst s2  }
0xb: {  	[smem:$0x3FAE] =	sst s3  }
0xc: {  	[smem:$0x3FAF] =	sst s4  }
0xd: {  	[smem:$0x3FB0] =	sst s5  }
0xe: {  	[smem:$0x3FB1] =	sst s6  }
0xf: {  	[smem:$0x3FB2] =	sst s7  }
0x10: {  	[smem:$0x3FB3] =	sst s8  }
0x11: {  	[smem:$0x3FB4] =	sst s9;
	s0 =	simm.s32 @!p0 $0x0  }
0x12: {  	s1 =	sld [smem:$0x3F9A];
	s0 =	simm.s32 @p0 $0x1  }
0x13: {  	[smem:$0x3FB5] =	sst s0;
	s0 =	simm.s32 @!p1 $0x0  }
0x14: {  	s2 =	sld [smem:$0x3F99];
	s0 =	simm.s32 @p1 $0x1  }
0x15: {  	[smem:$0x3FB6] =	sst s0;
	s0 =	simm.s32 @!p2 $0x0  }
0x16: {  	s3 =	sld [smem:$0x3FDB];
	s0 =	simm.s32 @p2 $0x1  }
0x17: {  	s4 =	simm.s32 $0x1BF5;
	[smem:$0x3FB8] =	sst s0  }
0x18: {  	s0 =	sld [smem:$0x3F9B];
	_ =	swait.ge [sflag:s4], $0x0  }
0x19: {  	s7 =	sld [smem:$0x3F9C]  }
0x1a: {  	s8 =	sadd.s32 $0xFFFFE003, lr  }
0x1b: {  	s9 =	sadd.s32 $0xFFFFFEF7, lr;
	s5 =	simm.s32 $0xFFFFFFFF;
	p2 =	slt.u32 s8, $0xFFFFF086  }
0x1c: {  	p1 =	slt.u32 s9, $0xF7A;
	s5 =	simm.s32 @!p2 $0x0  }
0x1d: {  	s5 =	simm.s32 @p1 $0x1;
	p0 =	seq.s32 s7, s2  }
0x1e: {  	s7 =	smul.u32 @!p0 $0xF7A, s2;
	p2 =	seq.s32 @!p0 s5, $0x0  }
0x1f: {  	s9 =	smul.u32 $0xF7A, s1;
	s8 =	simm.s32 @!p0 $0x1BF5;
	p2 =	por !p2, p0  }
0x20: {  	[sflag:s8] =	ssyncset.s32 @!p0 $0xFFFFF086;
	s6 =	sadd.s32 @!p0 s3, s7;
	s7 =	simm.s32 @!p0 $0x108  }
0x21: {  	s3 =	sadd.s32 s3, s9;
	s6 =	sadd.s32 @!p0 $0x88, s6;
	s7 =	simm.s32 @p2 $0x1082  }
0x22: {  	[simem:s7], [sflag:s8] =	dma.local @!p0 [hbm:s6], $0xF7A  }
0x23: {  	s9 =	sor.u32 $0xD0000000, s2;
	s6 =	simm.s32 $0x108;
	_ =	swait.ge @!p0 [sflag:s8], $0x0  }
0x24: {  	s3 =	sadd.s32 $0x88, s3;
	s6 =	simm.s32 @!p1 $0x1082;
	[sflag:s4] =	ssyncset.s32 $0xFFFFF086  }
0x25: {  	[simem:s6], [sflag:s4] =	dma.local [hbm:s3], $0xF7A  }
0x26: {  	[smem:$0x3F9C] =	sst s1;
	(tag) =	ssettag s2;
	_ =	strace s9  }
0x27: {  	s1 =	sld [smem:$0x3FAC]  }
0x28: {  	s2 =	sld [smem:$0x3FAD]  }
0x29: {  	s4 =	sld [smem:$0x3FAF]  }
0x2a: {  	p0 =	seq.s32 s5, $0x0;
	s5 =	sld [smem:$0x3FB0]  }
0x2b: {  	s6 =	sld [smem:$0x3FB1]  }
0x2c: {  	s7 =	sld [smem:$0x3FB2]  }
0x2d: {  	s3 =	simm.s32 $0x108;
	s8 =	sld [smem:$0x3FB3]  }
0x2e: {  	s3 =	simm.s32 @!p0 $0x1082;
	s9 =	sld [smem:$0x3FB4]  }
0x2f: {  	lr =	sadd.s32 s0, s3;
	s0 =	sld [smem:$0x3FAB]  }
0x30: {  	s3 =	sld [smem:$0x3FAE]  }
0x31: {  	[smem:$0x3FB7] =	sst s10  }
0x32: {  	s10 =	sld [smem:$0x3FB5];
	_ =	sdelay $0x3  }
0x33: {  	p0 =	seq.s32 s10, $0x1;
	s10 =	sld [smem:$0x3FB7];
	_ =	sdelay $0x3  }
0x34: {  	[smem:$0x3FB7] =	sst s10  }
0x35: {  	s10 =	sld [smem:$0x3FB6];
	_ =	sdelay $0x3  }
0x36: {  	p1 =	seq.s32 s10, $0x1;
	s10 =	sld [smem:$0x3FB7];
	_ =	sdelay $0x3  }
0x37: {  	[smem:$0x3FB7] =	sst s10  }
0x38: {  	s10 =	sld [smem:$0x3FB8]  }
0x39: {  	_ = 	snop;
	(pc) =	sbr.ind lr, $3  }
0x3a: {  	_ = 	snop  }
0x3b: {  	_ = 	snop  }
0x3c: {  	p2 =	seq.s32 s10, $0x1;
	s10 =	sld [smem:$0x3FB7]  }
0x3d: {  	_ =	shalt  }
0x3e: {  	_ =	shalt  }
0x3f: {  	_ =	shalt  }
0x40: {  	_ =	shalt  }
0x41: {  	_ =	shalt  }
0x42: {  	_ =	shalt  }
0x43: {  	_ =	shalt  }
0x44: {  	_ =	shalt  }
0x45: {  	_ =	shalt  }
0x46: {  	_ =	shalt  }
0x47: {  	_ =	shalt  }
0x48: {  	_ =	shalt  }
0x49: {  	_ =	shalt  }
0x4a: {  	_ =	shalt  }
0x4b: {  	_ =	shalt  }
0x4c: {  	_ =	shalt  }
0x4d: {  	_ =	shalt  }
0x4e: {  	_ =	shalt  }
0x4f: {  	_ =	shalt  }
0x50: {  	_ =	shalt  }
0x51: {  	_ =	shalt  }
0x52: {  	_ =	shalt  }
0x53: {  	_ =	shalt  }
0x54: {  	_ =	shalt  }
0x55: {  	_ =	shalt  }
0x56: {  	_ =	shalt  }
0x57: {  	_ =	shalt  }
0x58: {  	_ =	shalt  }
0x59: {  	_ =	shalt  }
0x5a: {  	_ =	shalt  }
0x5b: {  	_ =	shalt  }
0x5c: {  	_ =	shalt  }
0x5d: {  	_ =	shalt  }
0x5e: {  	_ =	shalt  }
0x5f: {  	_ =	shalt  }
0x60: {  	_ =	shalt  }
0x61: {  	_ =	shalt  }
0x62: {  	_ =	shalt  }
0x63: {  	_ =	shalt  }
0x64: {  	_ =	shalt  }
0x65: {  	_ =	shalt  }
0x66: {  	_ =	shalt  }
0x67: {  	_ =	shalt  }
0x68: {  	_ =	shalt  }
0x69: {  	_ =	shalt  }
0x6a: {  	_ =	shalt  }
0x6b: {  	_ =	shalt  }
0x6c: {  	_ =	shalt  }
0x6d: {  	_ =	shalt  }
0x6e: {  	_ =	shalt  }
0x6f: {  	_ =	shalt  }
0x70: {  	_ =	shalt  }
0x71: {  	_ =	shalt  }
0x72: {  	_ =	shalt  }
0x73: {  	_ =	shalt  }
0x74: {  	_ =	shalt  }
0x75: {  	_ =	shalt  }
0x76: {  	_ =	shalt  }
0x77: {  	_ =	shalt  }
0x78: {  	_ =	shalt  }
0x79: {  	_ =	shalt  }
0x7a: {  	_ =	shalt  }
0x7b: {  	_ =	shalt  }
0x7c: {  	_ =	shalt  }
0x7d: {  	_ =	shalt  }
0x7e: {  	_ =	shalt  }
0x7f: {  	_ =	shalt  }
0x80: {  	_ =	shalt  }
0x81: {  	_ =	shalt  }
0x82: {  	_ =	shalt  }
0x83: {  	_ =	shalt  }
0x84: {  	_ =	shalt  }
0x85: {  	_ =	shalt  }
0x86: {  	_ =	shalt  }
0x87: {  	_ =	shalt  }
.Lfunc_end0:
.L_simem_size_0:
called_computation_lowered:
.L_overlay_start_0:
0x88: {  	s0 =	sld [smem:$0x3FD9]  }
0x89: {  	s1 =	sld [smem:$0x3FFE];
	_ =	sdelay $0x3  }
0x8a: {  	s0 =	sadd.s32 s1, s0  }
0x8b: {  	[smem:$0x3FC3] =	sst s0  }
0x8c: {  	_ = 	snop  }
0x8d: {  	s0 =	sld [smem:$0x3FC8]  }
0x8e: {  	s17 =	sld [smem:$0x3FC5]  }
0x8f: {  	s2 =	sld [smem:$0x3FD0];
	(tm) =	ssettm $0x1  }
0x90: {  	s3 =	sld [smem:$0x3FFB];
	_ =	sdelay $0x3  }
0x91: {  	_ =	strace s3  }
0x92: {  	s3 =	sld [smem:$0x3FFC];
	_ =	sdelay $0x3  }
0x93: {  	_ =	strace s3  }
0x94: {  	s3 =	sld [smem:$0x3FFD];
	_ =	sdelay $0x3  }
0x95: {  	_ =	strace s3  }
0x96: {  	_ =	strace $0x8FFFFFFF  }
0x97: {  	s18 =	sld [smem:$0x3FDB];
	_ =	sdelay $0x1  }
0x98: {  	s4 =	simm.s32 $_scs_section_size  }
0x99: {  	s5 =	simm.s32 $_size__tile_overlayer_lowered;
	s6 =	simm.s32 $_tile_overlayer_lowered  }
0x9a: {  	s21 =	simm.s32 $0x1BFF;
	s20 =	sshll.u32 s6, $0x1;
	s3 =	sadd.s32 s4, s18  }
0x9b: {  	s7 =	simm.s32 $0x0;
	s19 =	sshll.u32 s5, $0x1;
	s5 =	sadd.s32 s20, s3  }
0x9c: {  	[timem:s7], [sflag:s21] =	dma.local [hbm:s5], s19  }
0x9d: {  	_ =	swait.ge [sflag:s21], s19  }
0x9e: {  	s4 =	ssub.s32 $0x0, s19;
	[sflag:s21] =	ssyncset.done $0x0  }
0x9f: {  	[sflag:s21] =	ssyncadd.s32 s4;
	_ =	sdelay $0x1  }
0xa0: {  	s22 =	simm.s32 $0x1B8B  }
0xa1: {  	_ =	swait.ge [sflag:s22], $0x1  }
0xa2: {  	[sflag:s22] =	ssyncset.done $0x0  }
0xa3: {  	s23 =	simm.s32 $0x1B8E;
	[sflag:s22] =	ssyncadd.s32 $0xFFFFFFFF  }
0xa4: {  	s24 =	simm.s32 $execute0_lowered;
	[smem:$0x3FD2] =	sst s23  }
0xa5: {  	s4 =	sshll.u32 s24, $0x1;
	_ =	strace $0x80000046;
	[dreg:$0x1] =	wrdreg $0xFFFFFFFF  }
0xa6: {  	s25 =	simm.s32 $_size_execute0_lowered;
	s3 =	sadd.s32 s3, s4;
	[dreg:$0x0] =	wrdreg $0x0  }
0xa7: {  	s4 =	sshll.u32 s25, $0x1;
	[dreg:$0x2] =	wrdreg s3  }
0xa8: {  	[dreg:$0x3] =	wrdreg s4  }
0xa9: {  	[dreg:$0x4] =	wrdreg $0xC0  }
0xaa: {  	_ =	task [dreg:s7], $0x5FFFF  }
0xab: {  	[dreg:$0x1] =	wrdreg $0xFFFFFFFF  }
0xac: {  	[dreg:$0x0] =	wrdreg $0x60  }
0xad: {  	[dreg:$0x2] =	wrdreg s0  }
0xae: {  	[dreg:$0x3] =	wrdreg s17  }
0xaf: {  	[dreg:$0x4] =	wrdreg s2  }
0xb0: {  	[dreg:$0x5] =	wrdreg $0x9  }
0xb1: {  	_ =	task.clear_ibuf [dreg:s7], $0x6FFFF;
	_ =	strace $0x90000046  }
0xb2: {  	s26 =	simm.s32 $0x9;
	_ =	strace $0x80000048  }
0xb3: {  	_ =	swait.ge [sflag:s26], $0x1  }
0xb4: {  	[sflag:s26] =	ssyncadd.s32 $0xFFFFFFFF  }
0xb5: {  	_ =	strace $0x90000048  }
0xb6: {  	_ =	sfence  }
0xb7: {  	s28 =	sld [smem:$0x0];
	_ =	sdelay $0x1  }
0xb8: {  	s29 =	srdreg.scid  }
0xb9: {  	s30 =	sshll.u32 s29, $0xD;
	s31 =	sshrl.u32 s29, $0x2  }
0xba: {  	s1 =	sand.u32 $0x1, s29;
	s2 =	sand.u32 $0x4000, s30;
	s0 =	sadd.s32 s31, s28  }
0xbb: {  	s1 =	sor.u32 s2, s1;
	s0 =	sshll.u32 s0, $0x11  }
0xbc: {  	s0 =	sor.u32 s0, s1  }
0xbd: {  	s0 =	sadd.s32 $0x8F2B, s0  }
0xbe: {  	[sflag:s0] =	ssyncadd.remote.s32 $0x1  }
0xbf: {  	_ =	sfence.sel $0xFFFF  }
0xc0: {  	[dreg:$0x0] =	wrdreg $0xFFFFFFFF;
	(pc) =	sbr.abs _section_cstart, $3  }
0xc1: {  	[dreg:$0x1] =	wrdreg $0xFFFFFFFF  }
0xc2: {  	_ =	task.clear_ibuf [dreg:s7], $0x2FFFF;
	_ =	strace $0x9FFFFFFF  }
0xc3: {  	(tm) =	ssettm $0x7FFFFFFF  }
tec
execute0_lowered:
.L_overlay_start_1:
0x0: {  	(tag) =	ssettag $0x1  }
0x1: {  	s1 =	rddreg [dreg:$0x0]  }
0x2: {  	s6 =	rddreg [dreg:$0x1]  }
0x3: {  	s2 =	rddreg [dreg:$0x2];
	s4 =	simm.s32 $0x0  }
0x4: {  	[smem:$0x7FF] =	sst s4  }
0x5: {  	s0 =	rddreg [dreg:$0x3];
	s7 =	simm.s32 $0x1;
	_ =	strace $0x80000047  }
0x6: {  	v0 =	vlaneseq.u32;
	[tilespmem:s4], [sflag:$0x1] =	stream.linear.gather [hbm4b:s1+s4], $0x200, $0x38;
	[tilespmem:$0x480] =	vst v63  }
0x7: {  	v29 =	vimm.f32 $0.0e+00;
	v10 =	vimm.s32 $0x0;
	v11 =	vimm.s32 $0x1;
	_ =	swait.ge [sflag:s7], $0x200  }
0x8: {  	s5 =	simm.s32 $0x200;
	v7 =	vimm.s32 $0x2;
	v8 =	vimm.s32 $0x3;
	v6 =	vimm.s32 $0x4;
	[sflag:s7] =	ssyncset.done $0x0  }
0x9: {  	v4 =	vimm.s32 $0x5;
	v2 =	vimm.s32 $0x6;
	v3 =	vimm.s32 $0x7;
	s19 =	simm.s32 $0xF;
	s20 =	simm.s32 $0xE;
	[sflag:s7] =	ssyncadd.s32 $0xFFFFFE00  }
0xa: {  	v1 =	vimm.s32 $0x8;
	v14 =	vimm.s32 $0x9;
	v15 =	vimm.s32 $0xA;
	[tilespmem:s5], [sflag:$0x1] =	stream.linear.gather [hbm4b:s6+s4], $0x200, $0x38;
	[tilespmem:$0x480] =	vst v63  }
0xb: {  	v16 =	vimm.s32 $0xB;
	v17 =	vimm.s32 $0xC;
	v18 =	vimm.s32 $0xD;
	s8 =	simm.s32 $0xC;
	s9 =	simm.s32 $0xD;
	_ =	swait.ge [sflag:s7], $0x200  }
0xc: {  	v19 =	vimm.s32 $0xE;
	v21 =	vimm.s32 $0xF;
	s22 =	simm.s32 $0x8;
	s10 =	simm.s32 $0x9;
	v5 =	vmov s19;
	[sflag:s7] =	ssyncset.done $0x0  }
0xd: {  	s11 =	simm.s32 $0xA;
	s23 =	simm.s32 $0x5;
	v9 =	vmov s20;
	v13 =	vmov s8;
	v12 =	vmov s9;
	[sflag:s7] =	ssyncadd.s32 $0xFFFFFE00  }
0xe: {  	s24 =	simm.s32 $0x6;
	s25 =	simm.s32 $0x7;
	s26 =	simm.s32 $0x2;
	v28 =	vmov s22;
	v26 =	vmov s10;
	v24 =	vmov s11;
	v32 =	vld [tilespmem:s5+$0x0]  }
0xf: {  	s28 =	simm.s32 $0x3;
	s29 =	simm.s32 $0x4;
	v37 =	vmov s23;
	v35 =	vmov s24;
	v31 =	vmov s25;
	s1 =	stileid.u32;
	v33 =	vld [tilespmem:s4+$0x0]  }
0x10: {  	s30 =	simm.s32 $0x0;
	s31 =	simm.s32 $0x1;
	v39 =	vmov s26;
	v40 =	vmov s28;
	v38 =	vmov s29;
	s3 =	sshll.u32 s1, $0x5  }
0x11: {  	s21 =	simm.s32 $0xB;
	v41 =	vmov s30;
	v42 =	vmov s31;
	v0 =	vor.u32 s3, v0  }
0x12: {  	vm11 =	vlt.u32 v5, v0;
	v5 =	vmov s21;
	vm12 =	vlt.u32 v9, v0  }
0x13: {  	vm2 =	vlt.u32 v12, v0;
	v12 =	vperm.xlane v32, v19;
	v9 =	vperm.xlane v32, v21  }
0x14: {  	vm3 =	vlt.u32 v13, v0;
	v20 =	vperm.xlane v32, v18;
	v13 =	vperm.xlane v33, v21  }
0x15: {  	vm5 =	vlt.u32 v24, v0;
	v23 =	vperm.xlane v32, v17;
	v22 =	vperm.xlane v33, v19  }
0x16: {  	vm6 =	vlt.u32 v26, v0;
	v25 =	vperm.xlane v32, v16;
	v24 =	vperm.xlane v33, v18  }
0x17: {  	vm7 =	vlt.u32 v28, v0;
	v27 =	vperm.xlane v32, v15;
	v26 =	vperm.xlane v33, v17  }
0x18: {  	vm8 =	vlt.u32 v31, v0;
	v30 =	vperm.xlane v32, v14;
	v28 =	vperm.xlane v33, v16  }
0x19: {  	vm9 =	vlt.u32 v35, v0;
	v34 =	vperm.xlane v32, v1;
	v31 =	vperm.xlane v33, v15  }
0x1a: {  	vm4 =	vlt.u32 v5, v0;
	s6 =	simm.s32 $0x1F;
	v5 =	vld [tilespmem:s3+$0x0];
	v36 =	vperm.xlane v32, v3;
	v35 =	vperm.xlane v33, v14  }
.LBB2_1:
0x1b: {  	vm10 =	vlt.u32 v37, v0;
	v37 =	vperm.xlane v32, v2  }
0x1c: {  	v60 =	vperm.xlane v32, v4;
	v44 =	vperm.xlane v33, v3  }
0x1d: {  	v43 =	vimm.s32 $0x0;
	v61 =	vperm.xlane v32, v6;
	v45 =	vperm.xlane v33, v2  }
0x1e: {  	v59 =	vimm.s32 $0x0;
	v62 =	vperm.xlane v32, v8;
	v46 =	vperm.xlane v33, v4  }
0x1f: {  	vm13 =	vlt.u32 v39, v0;
	v47 =	vperm.xlane v33, v10;
	v63 =	vperm.xlane v33, v6  }
0x20: {  	vm14 =	vlt.u32 v42, v0;
	v52 =	vperm.xlane v32, v7;
	v48 =	vperm.xlane v33, v8  }
0x21: {  	vm15 =	vlt.u32 v41, v0;
	v49 =	vperm.xlane v33, v11;
	v50 =	vperm.xlane v32, v11  }
0x22: {  	v53 =	vperm.xlane v32, v10;
	v54 =	vperm.xlane v33, v7;
	s26 =	sadd.s32 $0xFFFFFFF3, s6;
	v43 =	vsel vm12, $0xFFFFFFFF, v43  }
0x23: {  	s28 =	sadd.s32 $0xFFFFFFF4, s6;
	vm12 =	vlt.u32 v40, v0;
	v39 =	vmov s26;
	vm0 =	veq.f32 v47, v5  }
0x24: {  	s30 =	sadd.s32 $0xFFFFFFF1, s6;
	v40 =	vmov s28;
	vm1 =	vlt.f32 v47, v5;
	vm0 =	vmand vm15, vm0  }
0x25: {  	v41 =	vmov s30;
	vm0 =	vmor vm1, vm0;
	vm1 =	veq.f32 v49, v5  }
0x26: {  	s31 =	sadd.s32 $0xFFFFFFF2, s6;
	v32 =	vnsel vm0, $0x0, v53;
	vm0 =	vlt.f32 v49, v5;
	vm1 =	vmand vm14, vm1  }
0x27: {  	v42 =	vmov s31;
	vm0 =	vmor vm0, vm1;
	vm1 =	veq.f32 v54, v5  }
0x28: {  	v55 =	vnsel vm0, $0x0, v50;
	vm0 =	vlt.f32 v54, v5;
	vm1 =	vmand vm13, vm1  }
0x29: {  	[tilespmem:$0x1FFE0] =	vst v43;
	v43 =	vsel vm11, $0xFFFFFFFF, v59;
	vm0 =	vmor vm0, vm1;
	vm1 =	veq.f32 v48, v5  }
0x2a: {  	v56 =	vnsel vm0, $0x0, v52;
	vm0 =	vlt.f32 v48, v5;
	vm1 =	vmand vm12, vm1  }
0x2b: {  	vm11 =	vlt.u32 v38, v0;
	vm0 =	vmor vm0, vm1;
	vm1 =	veq.f32 v63, v5  }
0x2c: {  	s29 =	sadd.s32 $0xFFFFFFF5, s6;
	v57 =	vnsel vm0, $0x0, v62;
	vm0 =	vlt.f32 v63, v5;
	vm1 =	vmand vm11, vm1  }
0x2d: {  	v38 =	vmov s29;
	vm0 =	vmor vm0, vm1;
	vm1 =	veq.f32 v46, v5  }
0x2e: {  	v58 =	vnsel vm0, $0x0, v61;
	vm0 =	vlt.f32 v46, v5;
	vm1 =	vmand vm10, vm1  }
0x2f: {  	[tilespmem:$0x1FFF0] =	vst v43;
	v43 =	vperm.xlane v33, v1;
	vm0 =	vmor vm0, vm1;
	vm1 =	veq.f32 v45, v5  }
0x30: {  	v59 =	vnsel vm0, $0x0, v60;
	vm0 =	vlt.f32 v45, v5;
	vm1 =	vmand vm9, vm1  }
0x31: {  	v29 =	vadd.f32 v32, v29;
	vm0 =	vmor vm0, vm1;
	vm1 =	veq.f32 v44, v5  }
0x32: {  	v60 =	vnsel vm0, $0x0, v37;
	vm0 =	vlt.f32 v44, v5;
	vm1 =	vmand vm8, vm1  }
0x33: {  	v29 =	vadd.f32 v55, v29;
	vm0 =	vmor vm0, vm1;
	vm1 =	veq.f32 v43, v5  }
0x34: {  	v61 =	vnsel vm0, $0x0, v36;
	vm0 =	vlt.f32 v43, v5;
	vm1 =	vmand vm7, vm1  }
0x35: {  	v29 =	vadd.f32 v56, v29;
	vm0 =	vmor vm0, vm1;
	vm1 =	veq.f32 v35, v5  }
0x36: {  	v62 =	vnsel vm0, $0x0, v34;
	vm0 =	vlt.f32 v35, v5;
	vm1 =	vmand vm6, vm1  }
0x37: {  	v29 =	vadd.f32 v57, v29;
	vm0 =	vmor vm0, vm1;
	vm1 =	veq.f32 v31, v5  }
0x38: {  	v30 =	vnsel vm0, $0x0, v30;
	vm0 =	vlt.f32 v31, v5;
	vm1 =	vmand vm5, vm1  }
0x39: {  	v29 =	vadd.f32 v58, v29;
	vm0 =	vmor vm0, vm1;
	vm1 =	veq.f32 v28, v5  }
0x3a: {  	v27 =	vnsel vm0, $0x0, v27;
	vm0 =	vlt.f32 v28, v5;
	vm1 =	vmand vm4, vm1  }
0x3b: {  	s5 =	sadd.s32 $0x10, s5;
	v29 =	vadd.f32 v59, v29;
	vm0 =	vmor vm0, vm1;
	vm1 =	veq.f32 v26, v5  }
0x3c: {  	s4 =	sadd.s32 $0x10, s4;
	v32 =	vld [tilespmem:s5+$0x0];
	v25 =	vnsel vm0, $0x0, v25;
	vm0 =	vlt.f32 v26, v5;
	vm1 =	vmand vm3, vm1  }
0x3d: {  	v33 =	vld [tilespmem:s4+$0x0];
	v29 =	vadd.f32 v60, v29;
	vm0 =	vmor vm0, vm1;
	vm1 =	veq.f32 v24, v5  }
0x3e: {  	s24 =	sadd.s32 $0xFFFFFFF7, s6;
	v23 =	vnsel vm0, $0x0, v23;
	vm0 =	vlt.f32 v24, v5;
	vm1 =	vmand vm2, vm1  }
0x3f: {  	v63 =	vmov s24;
	v29 =	vadd.f32 v61, v29;
	vm0 =	vmor vm0, vm1  }
0x40: {  	vm1 =	veq.f32 v22, v5;
	v20 =	vnsel vm0, $0x0, v20;
	vm0 =	vlt.f32 v22, v5;
	v22 =	vld [tilespmem:$0x1FFE0]  }
0x41: {  	s23 =	sadd.s32 $0xFFFFFFF6, s6;
	vm9 =	vlt.u32 v63, v0;
	v36 =	vperm.xlane v32, v3;
	v29 =	vadd.f32 v62, v29  }
0x42: {  	s25 =	sadd.s32 $0xFFFFFFF8, s6;
	v37 =	vmov s23;
	v34 =	vperm.xlane v32, v1;
	v35 =	vperm.xlane v33, v14  }
0x43: {  	s22 =	sadd.s32 $0xFFFFFFF9, s6;
	v31 =	vmov s25;
	v29 =	vadd.f32 v30, v29;
	v30 =	vperm.xlane v32, v14  }
0x44: {  	vm8 =	vlt.u32 v31, v0;
	v31 =	vperm.xlane v33, v15;
	v28 =	vmov s22  }
0x45: {  	s11 =	sadd.s32 $0xFFFFFFFA, s6;
	v27 =	vadd.f32 v27, v29;
	vm7 =	vlt.u32 v28, v0;
	vm2 =	vnez.u8 v22  }
0x46: {  	v28 =	vperm.xlane v33, v16;
	v26 =	vmov s11;
	vm1 =	vmand vm2, vm1  }
0x47: {  	v25 =	vadd.f32 v25, v27;
	vm6 =	vlt.u32 v26, v0;
	vm0 =	vmor vm0, vm1  }
0x48: {  	s12 =	sadd.s32 $0xFFFFFFFB, s6;
	vm1 =	veq.f32 v13, v5;
	v12 =	vnsel vm0, $0x0, v12;
	vm0 =	vlt.f32 v13, v5;
	v13 =	vld [tilespmem:$0x1FFF0]  }
0x49: {  	v27 =	vperm.xlane v32, v15;
	v24 =	vmov s12;
	v23 =	vadd.f32 v23, v25  }
0x4a: {  	s8 =	sadd.s32 $0xFFFFFFFC, s6;
	v26 =	vperm.xlane v33, v17;
	vm5 =	vlt.u32 v24, v0;
	v25 =	vperm.xlane v32, v16  }
0x4b: {  	v24 =	vperm.xlane v33, v18;
	v20 =	vadd.f32 v20, v23;
	v22 =	vmov s8  }
0x4c: {  	s7 =	sadd.s32 $0xFFFFFFFF, s6;
	v23 =	vperm.xlane v32, v17;
	vm4 =	vlt.u32 v22, v0;
	v22 =	vperm.xlane v33, v19  }
0x4d: {  	p0 =	sne.s32 s6, $0x1FF;
	v12 =	vadd.f32 v12, v20;
	v20 =	vmov s7;
	vm2 =	vnez.u8 v13  }
.Ltmp0:
0x4e: {  	s9 =	sadd.s32 $0xFFFFFFFD, s6;
	vm12 =	vlt.u32 v20, v0;
	v13 =	vmov s6;
	vm1 =	vmand vm2, vm1;
	(pc) =	sbr.rel @p0 .LBB2_1-.Ltmp0, $4  }
0x4f: {  	vm11 =	vlt.u32 v13, v0;
	v13 =	vmov s9;
	vm0 =	vmor vm0, vm1  }
0x50: {  	s10 =	sadd.s32 $0xFFFFFFFE, s6;
	v20 =	vperm.xlane v32, v18;
	vm3 =	vlt.u32 v13, v0;
	v9 =	vnsel vm0, $0x0, v9  }
0x51: {  	v13 =	vperm.xlane v33, v21;
	v29 =	vadd.f32 v9, v12;
	v9 =	vmov s10  }
0x52: {  	s6 =	sadd.s32 $0x10, s6;
	v12 =	vperm.xlane v32, v19;
	vm2 =	vlt.u32 v9, v0;
	v9 =	vperm.xlane v32, v21  }
0x53: {  	v14 =	vperm.xlane v33, v10;
	v15 =	vperm.xlane v33, v11  }
0x54: {  	vm0 =	vlt.u32 v42, v0;
	v11 =	vperm.xlane v32, v11;
	v10 =	vperm.xlane v32, v10  }
0x55: {  	vm1 =	vlt.u32 v41, v0;
	v3 =	vperm.xlane v33, v3;
	v1 =	vperm.xlane v33, v1  }
0x56: {  	v16 =	vimm.s32 $0xB;
	v17 =	vimm.s32 $0xC;
	v18 =	vimm.s32 $0xD;
	s24 =	simm.s32 $0x6  }
0x57: {  	v19 =	vimm.s32 $0xE;
	v21 =	vimm.s32 $0xF;
	s30 =	simm.s32 $0x0;
	s31 =	simm.s32 $0x1;
	v63 =	vmov s24  }
0x58: {  	v41 =	vmov s30;
	v42 =	vmov s31;
	vm10 =	veq.f32 v14, v5  }
0x59: {  	vm1 =	vmand vm1, vm10;
	vm10 =	vlt.f32 v14, v5;
	v14 =	vperm.xlane v33, v7  }
0x5a: {  	v7 =	vperm.xlane v32, v7;
	vm1 =	vmor vm10, vm1;
	vm10 =	veq.f32 v15, v5  }
0x5b: {  	v10 =	vnsel vm1, $0x0, v10;
	vm1 =	vlt.f32 v15, v5;
	vm0 =	vmand vm0, vm10  }
0x5c: {  	vm10 =	vlt.u32 v40, v0;
	v15 =	vperm.xlane v33, v8;
	vm0 =	vmor vm1, vm0  }
0x5d: {  	vm1 =	vlt.u32 v39, v0;
	v11 =	vnsel vm0, $0x0, v11;
	vm0 =	veq.f32 v14, v5  }
0x5e: {  	s28 =	simm.s32 $0x3;
	v8 =	vperm.xlane v32, v8;
	vm0 =	vmand vm1, vm0;
	vm1 =	vlt.f32 v14, v5  }
0x5f: {  	v40 =	vmov s28;
	vm0 =	vmor vm1, vm0;
	vm1 =	veq.f32 v15, v5  }
0x60: {  	v14 =	vperm.xlane v33, v6;
	vm1 =	vmand vm10, vm1;
	vm10 =	vlt.f32 v15, v5  }
0x61: {  	v10 =	vadd.f32 v10, v29;
	v7 =	vnsel vm0, $0x0, v7;
	vm0 =	vmor vm10, vm1  }
0x62: {  	vm1 =	vlt.u32 v38, v0;
	v8 =	vnsel vm0, $0x0, v8;
	vm0 =	veq.f32 v14, v5  }
0x63: {  	v10 =	vadd.f32 v11, v10;
	vm0 =	vmand vm1, vm0;
	vm1 =	vlt.f32 v14, v5  }
0x64: {  	v6 =	vperm.xlane v32, v6;
	v11 =	vperm.xlane v33, v4;
	vm0 =	vmor vm1, vm0  }
0x65: {  	vm1 =	vlt.u32 v37, v0;
	v0 =	vperm.xlane v32, v4;
	v4 =	vadd.f32 v7, v10  }
0x66: {  	v7 =	vperm.xlane v33, v2;
	v6 =	vnsel vm0, $0x0, v6;
	vm0 =	veq.f32 v11, v5  }
0x67: {  	s26 =	simm.s32 $0x2;
	v4 =	vadd.f32 v8, v4;
	vm0 =	vmand vm1, vm0;
	vm1 =	vlt.f32 v11, v5  }
0x68: {  	v29 =	vimm.f32 $0.0e+00;
	v39 =	vmov s26;
	vm0 =	vmor vm1, vm0  }
0x69: {  	v4 =	vadd.f32 v6, v4;
	v0 =	vnsel vm0, $0x0, v0;
	vm0 =	veq.f32 v7, v5  }
0x6a: {  	v2 =	vperm.xlane v32, v2;
	vm1 =	vlt.f32 v7, v5;
	vm0 =	vmand vm9, vm0  }
0x6b: {  	v0 =	vadd.f32 v0, v4;
	vm0 =	vmor vm1, vm0;
	vm1 =	veq.f32 v3, v5  }
0x6c: {  	v2 =	vnsel vm0, $0x0, v2;
	vm0 =	vmand vm8, vm1;
	vm1 =	vlt.f32 v3, v5  }
0x6d: {  	v0 =	vadd.f32 v2, v0;
	vm0 =	vmor vm1, vm0;
	vm1 =	veq.f32 v1, v5  }
0x6e: {  	v2 =	vnsel vm0, $0x0, v36;
	vm0 =	vlt.f32 v1, v5;
	vm1 =	vmand vm7, vm1  }
0x6f: {  	v0 =	vadd.f32 v2, v0;
	vm0 =	vmor vm0, vm1;
	vm1 =	veq.f32 v35, v5  }
0x70: {  	v1 =	vnsel vm0, $0x0, v34;
	vm0 =	vlt.f32 v35, v5;
	vm1 =	vmand vm6, vm1  }
0x71: {  	v0 =	vadd.f32 v1, v0;
	vm0 =	vmor vm0, vm1;
	vm1 =	veq.f32 v31, v5  }
0x72: {  	v1 =	vnsel vm0, $0x0, v30;
	vm0 =	vlt.f32 v31, v5;
	vm1 =	vmand vm5, vm1  }
0x73: {  	v0 =	vadd.f32 v1, v0;
	vm0 =	vmor vm0, vm1;
	vm1 =	veq.f32 v28, v5  }
0x74: {  	v1 =	vnsel vm0, $0x0, v27;
	vm0 =	vlt.f32 v28, v5;
	vm1 =	vmand vm4, vm1  }
0x75: {  	v0 =	vadd.f32 v1, v0;
	vm0 =	vmor vm0, vm1;
	vm1 =	veq.f32 v26, v5  }
0x76: {  	v1 =	vnsel vm0, $0x0, v25;
	vm0 =	vlt.f32 v26, v5;
	vm1 =	vmand vm3, vm1  }
0x77: {  	v0 =	vadd.f32 v1, v0;
	vm0 =	vmor vm0, vm1;
	vm1 =	veq.f32 v24, v5  }
0x78: {  	v1 =	vnsel vm0, $0x0, v23;
	vm0 =	vlt.f32 v24, v5;
	vm1 =	vmand vm2, vm1  }
0x79: {  	v0 =	vadd.f32 v1, v0;
	vm0 =	vmor vm0, vm1;
	vm1 =	veq.f32 v22, v5  }
0x7a: {  	v1 =	vnsel vm0, $0x0, v20;
	vm0 =	vlt.f32 v22, v5;
	vm1 =	vmand vm12, vm1  }
0x7b: {  	v0 =	vadd.f32 v1, v0;
	vm0 =	vmor vm0, vm1;
	vm1 =	veq.f32 v13, v5  }
0x7c: {  	v1 =	vnsel vm0, $0x0, v12;
	vm0 =	vlt.f32 v13, v5;
	vm1 =	vmand vm11, vm1  }
0x7d: {  	s29 =	simm.s32 $0x4;
	v15 =	vimm.s32 $0xA;
	v0 =	vadd.f32 v1, v0;
	vm0 =	vmor vm0, vm1  }
0x7e: {  	s23 =	simm.s32 $0x5;
	v38 =	vmov s29;
	v14 =	vimm.s32 $0x9;
	v1 =	vnsel vm0, $0x0, v9  }
0x7f: {  	v10 =	vimm.s32 $0x0;
	v37 =	vmov s23;
	v5 =	vadd.f32 v1, v0  }
0x80: {  	s5 =	sor.u32 $0x10, s3;
	s3 =	simm.s32 $0x0;
	s4 =	simm.s32 $0x200;
	v11 =	vimm.s32 $0x1;
	v8 =	vimm.s32 $0x3;
	v7 =	vimm.s32 $0x2  }
0x81: {  	s21 =	simm.s32 $0x8;
	s10 =	simm.s32 $0x9;
	s25 =	simm.s32 $0x7;
	v6 =	vimm.s32 $0x4;
	v4 =	vimm.s32 $0x5;
	v2 =	vimm.s32 $0x7;
	[tilespmem:$0x400] =	vst v5  }
0x82: {  	s20 =	simm.s32 $0xB;
	s8 =	simm.s32 $0xC;
	s22 =	simm.s32 $0xA;
	v31 =	vmov s25;
	v28 =	vmov s21;
	v26 =	vmov s10;
	v32 =	vld [tilespmem:s4+$0x0]  }
0x83: {  	s6 =	simm.s32 $0xF;
	v24 =	vmov s22;
	v22 =	vmov s20;
	v13 =	vmov s8;
	v33 =	vld [tilespmem:s3+$0x0]  }
0x84: {  	s7 =	simm.s32 $0xE;
	v9 =	vmov s6;
	v0 =	vlaneseq.u32;
	v1 =	vimm.s32 $0x6  }
0x85: {  	s9 =	simm.s32 $0xD;
	v3 =	vor.u32 s5, v0;
	v0 =	vimm.s32 $0x8;
	v5 =	vmov s7  }
0x86: {  	vm11 =	vlt.u32 v9, v3;
	v9 =	vmov s9;
	vm3 =	vlt.u32 v13, v3  }
0x87: {  	vm2 =	vlt.u32 v9, v3;
	v12 =	vperm.xlane v32, v19;
	v9 =	vperm.xlane v32, v21  }
0x88: {  	vm4 =	vlt.u32 v22, v3;
	v20 =	vperm.xlane v32, v18;
	v13 =	vperm.xlane v33, v21  }
0x89: {  	vm5 =	vlt.u32 v24, v3;
	v23 =	vperm.xlane v32, v17;
	v22 =	vperm.xlane v33, v19  }
0x8a: {  	vm6 =	vlt.u32 v26, v3;
	v25 =	vperm.xlane v32, v16;
	v24 =	vperm.xlane v33, v18  }
0x8b: {  	vm7 =	vlt.u32 v28, v3;
	v27 =	vperm.xlane v32, v15;
	v26 =	vperm.xlane v33, v17  }
0x8c: {  	vm8 =	vlt.u32 v31, v3;
	v30 =	vperm.xlane v32, v14;
	v28 =	vperm.xlane v33, v16  }
0x8d: {  	vm9 =	vlt.u32 v63, v3;
	v34 =	vperm.xlane v32, v0;
	v31 =	vperm.xlane v33, v15  }
0x8e: {  	vm12 =	vlt.u32 v5, v3;
	v5 =	vld [tilespmem:s5+$0x0];
	s5 =	simm.s32 $0x1F;
	v36 =	vperm.xlane v32, v2;
	v35 =	vperm.xlane v33, v14  }
.LBB2_3:
0x8f: {  	vm10 =	vlt.u32 v37, v3;
	v37 =	vperm.xlane v32, v1  }
0x90: {  	v60 =	vperm.xlane v32, v4;
	v44 =	vperm.xlane v33, v2  }
0x91: {  	v43 =	vimm.s32 $0x0;
	v61 =	vperm.xlane v32, v6;
	v45 =	vperm.xlane v33, v1  }
0x92: {  	v59 =	vimm.s32 $0x0;
	v62 =	vperm.xlane v32, v8;
	v46 =	vperm.xlane v33, v4  }
0x93: {  	vm13 =	vlt.u32 v39, v3;
	v47 =	vperm.xlane v33, v10;
	v63 =	vperm.xlane v33, v6  }
0x94: {  	vm14 =	vlt.u32 v42, v3;
	v52 =	vperm.xlane v32, v7;
	v48 =	vperm.xlane v33, v8  }
0x95: {  	vm15 =	vlt.u32 v41, v3;
	v49 =	vperm.xlane v33, v11;
	v50 =	vperm.xlane v32, v11  }
0x96: {  	v53 =	vperm.xlane v32, v10;
	v54 =	vperm.xlane v33, v7;
	s26 =	sadd.s32 $0xFFFFFFF3, s5;
	v43 =	vsel vm12, $0xFFFFFFFF, v43  }
0x97: {  	s28 =	sadd.s32 $0xFFFFFFF4, s5;
	vm12 =	vlt.u32 v40, v3;
	v39 =	vmov s26;
	vm0 =	veq.f32 v47, v5  }
0x98: {  	s30 =	sadd.s32 $0xFFFFFFF1, s5;
	v40 =	vmov s28;
	vm1 =	vlt.f32 v47, v5;
	vm0 =	vmand vm15, vm0  }
0x99: {  	v41 =	vmov s30;
	vm0 =	vmor vm1, vm0;
	vm1 =	veq.f32 v49, v5  }
0x9a: {  	s31 =	sadd.s32 $0xFFFFFFF2, s5;
	v32 =	vnsel vm0, $0x0, v53;
	vm0 =	vlt.f32 v49, v5;
	vm1 =	vmand vm14, vm1  }
0x9b: {  	v42 =	vmov s31;
	vm0 =	vmor vm0, vm1;
	vm1 =	veq.f32 v54, v5  }
0x9c: {  	v55 =	vnsel vm0, $0x0, v50;
	vm0 =	vlt.f32 v54, v5;
	vm1 =	vmand vm13, vm1  }
0x9d: {  	[tilespmem:$0x1FFC0] =	vst v43;
	v43 =	vsel vm11, $0xFFFFFFFF, v59;
	vm0 =	vmor vm0, vm1;
	vm1 =	veq.f32 v48, v5  }
0x9e: {  	v56 =	vnsel vm0, $0x0, v52;
	vm0 =	vlt.f32 v48, v5;
	vm1 =	vmand vm12, vm1  }
0x9f: {  	vm11 =	vlt.u32 v38, v3;
	vm0 =	vmor vm0, vm1;
	vm1 =	veq.f32 v63, v5  }
0xa0: {  	s29 =	sadd.s32 $0xFFFFFFF5, s5;
	v57 =	vnsel vm0, $0x0, v62;
	vm0 =	vlt.f32 v63, v5;
	vm1 =	vmand vm11, vm1  }
0xa1: {  	v38 =	vmov s29;
	vm0 =	vmor vm0, vm1;
	vm1 =	veq.f32 v46, v5  }
0xa2: {  	v58 =	vnsel vm0, $0x0, v61;
	vm0 =	vlt.f32 v46, v5;
	vm1 =	vmand vm10, vm1  }
0xa3: {  	[tilespmem:$0x1FFD0] =	vst v43;
	v43 =	vperm.xlane v33, v0;
	vm0 =	vmor vm0, vm1;
	vm1 =	veq.f32 v45, v5  }
0xa4: {  	v59 =	vnsel vm0, $0x0, v60;
	vm0 =	vlt.f32 v45, v5;
	vm1 =	vmand vm9, vm1  }
0xa5: {  	v29 =	vadd.f32 v32, v29;
	vm0 =	vmor vm0, vm1;
	vm1 =	veq.f32 v44, v5  }
0xa6: {  	v60 =	vnsel vm0, $0x0, v37;
	vm0 =	vlt.f32 v44, v5;
	vm1 =	vmand vm8, vm1  }
0xa7: {  	v29 =	vadd.f32 v55, v29;
	vm0 =	vmor vm0, vm1;
	vm1 =	veq.f32 v43, v5  }
0xa8: {  	v61 =	vnsel vm0, $0x0, v36;
	vm0 =	vlt.f32 v43, v5;
	vm1 =	vmand vm7, vm1  }
0xa9: {  	v29 =	vadd.f32 v56, v29;
	vm0 =	vmor vm0, vm1;
	vm1 =	veq.f32 v35, v5  }
0xaa: {  	v62 =	vnsel vm0, $0x0, v34;
	vm0 =	vlt.f32 v35, v5;
	vm1 =	vmand vm6, vm1  }
0xab: {  	v29 =	vadd.f32 v57, v29;
	vm0 =	vmor vm0, vm1;
	vm1 =	veq.f32 v31, v5  }
0xac: {  	v30 =	vnsel vm0, $0x0, v30;
	vm0 =	vlt.f32 v31, v5;
	vm1 =	vmand vm5, vm1  }
0xad: {  	v29 =	vadd.f32 v58, v29;
	vm0 =	vmor vm0, vm1;
	vm1 =	veq.f32 v28, v5  }
0xae: {  	v27 =	vnsel vm0, $0x0, v27;
	vm0 =	vlt.f32 v28, v5;
	vm1 =	vmand vm4, vm1  }
0xaf: {  	s4 =	sadd.s32 $0x10, s4;
	v29 =	vadd.f32 v59, v29;
	vm0 =	vmor vm0, vm1;
	vm1 =	veq.f32 v26, v5  }
0xb0: {  	s3 =	sadd.s32 $0x10, s3;
	v32 =	vld [tilespmem:s4+$0x0];
	v25 =	vnsel vm0, $0x0, v25;
	vm0 =	vlt.f32 v26, v5;
	vm1 =	vmand vm3, vm1  }
0xb1: {  	v33 =	vld [tilespmem:s3+$0x0];
	v29 =	vadd.f32 v60, v29;
	vm0 =	vmor vm0, vm1;
	vm1 =	veq.f32 v24, v5  }
0xb2: {  	s24 =	sadd.s32 $0xFFFFFFF7, s5;
	v23 =	vnsel vm0, $0x0, v23;
	vm0 =	vlt.f32 v24, v5;
	vm1 =	vmand vm2, vm1  }
0xb3: {  	v63 =	vmov s24;
	v29 =	vadd.f32 v61, v29;
	vm0 =	vmor vm0, vm1  }
0xb4: {  	vm1 =	veq.f32 v22, v5;
	v20 =	vnsel vm0, $0x0, v20;
	vm0 =	vlt.f32 v22, v5;
	v22 =	vld [tilespmem:$0x1FFC0]  }
0xb5: {  	s23 =	sadd.s32 $0xFFFFFFF6, s5;
	vm9 =	vlt.u32 v63, v3;
	v36 =	vperm.xlane v32, v2;
	v29 =	vadd.f32 v62, v29  }
0xb6: {  	s25 =	sadd.s32 $0xFFFFFFF8, s5;
	v37 =	vmov s23;
	v34 =	vperm.xlane v32, v0;
	v35 =	vperm.xlane v33, v14  }
0xb7: {  	s22 =	sadd.s32 $0xFFFFFFF9, s5;
	v31 =	vmov s25;
	v29 =	vadd.f32 v30, v29;
	v30 =	vperm.xlane v32, v14  }
0xb8: {  	vm8 =	vlt.u32 v31, v3;
	v31 =	vperm.xlane v33, v15;
	v28 =	vmov s22  }
0xb9: {  	s10 =	sadd.s32 $0xFFFFFFFA, s5;
	v27 =	vadd.f32 v27, v29;
	vm7 =	vlt.u32 v28, v3;
	vm2 =	vnez.u8 v22  }
0xba: {  	v28 =	vperm.xlane v33, v16;
	v26 =	vmov s10;
	vm1 =	vmand vm2, vm1  }
0xbb: {  	v25 =	vadd.f32 v25, v27;
	vm6 =	vlt.u32 v26, v3;
	vm0 =	vmor vm0, vm1  }
0xbc: {  	s11 =	sadd.s32 $0xFFFFFFFB, s5;
	vm1 =	veq.f32 v13, v5;
	v12 =	vnsel vm0, $0x0, v12;
	vm0 =	vlt.f32 v13, v5;
	v13 =	vld [tilespmem:$0x1FFD0]  }
0xbd: {  	v27 =	vperm.xlane v32, v15;
	v24 =	vmov s11;
	v23 =	vadd.f32 v23, v25  }
0xbe: {  	s7 =	sadd.s32 $0xFFFFFFFC, s5;
	v26 =	vperm.xlane v33, v17;
	vm5 =	vlt.u32 v24, v3;
	v25 =	vperm.xlane v32, v16  }
0xbf: {  	v24 =	vperm.xlane v33, v18;
	v20 =	vadd.f32 v20, v23;
	v22 =	vmov s7  }
0xc0: {  	s6 =	sadd.s32 $0xFFFFFFFF, s5;
	v23 =	vperm.xlane v32, v17;
	vm4 =	vlt.u32 v22, v3;
	v22 =	vperm.xlane v33, v19  }
0xc1: {  	p0 =	sne.s32 s5, $0x1FF;
	v12 =	vadd.f32 v12, v20;
	v20 =	vmov s6;
	vm2 =	vnez.u8 v13  }
.Ltmp1:
0xc2: {  	s8 =	sadd.s32 $0xFFFFFFFD, s5;
	vm12 =	vlt.u32 v20, v3;
	v13 =	vmov s5;
	vm1 =	vmand vm2, vm1;
	(pc) =	sbr.rel @p0 .LBB2_3-.Ltmp1, $4  }
0xc3: {  	vm11 =	vlt.u32 v13, v3;
	v13 =	vmov s8;
	vm0 =	vmor vm0, vm1  }
0xc4: {  	s9 =	sadd.s32 $0xFFFFFFFE, s5;
	v20 =	vperm.xlane v32, v18;
	vm3 =	vlt.u32 v13, v3;
	v9 =	vnsel vm0, $0x0, v9  }
0xc5: {  	v13 =	vperm.xlane v33, v21;
	v29 =	vadd.f32 v9, v12;
	v9 =	vmov s9  }
0xc6: {  	s5 =	sadd.s32 $0x10, s5;
	v12 =	vperm.xlane v32, v19;
	vm2 =	vlt.u32 v9, v3;
	v9 =	vperm.xlane v32, v21  }
0xc7: {  	v14 =	vperm.xlane v33, v10;
	vm0 =	vlt.u32 v42, v3;
	v15 =	vperm.xlane v33, v11  }
0xc8: {  	vm1 =	vlt.u32 v41, v3;
	v41 =	vperm.xlane v32, v11;
	v42 =	vperm.xlane v32, v10  }
0xc9: {  	v43 =	vperm.xlane v33, v7;
	v44 =	vperm.xlane v33, v8  }
0xca: {  	v45 =	vperm.xlane v32, v8;
	v46 =	vperm.xlane v32, v7  }
0xcb: {  	v47 =	vperm.xlane v33, v6;
	v48 =	vperm.xlane v32, v6  }
0xcc: {  	v49 =	vperm.xlane v33, v4;
	v50 =	vperm.xlane v32, v4  }
0xcd: {  	v52 =	vperm.xlane v33, v1;
	v53 =	vperm.xlane v32, v1  }
0xce: {  	v2 =	vperm.xlane v33, v2;
	v0 =	vperm.xlane v33, v0  }
0xcf: {  	vm10 =	veq.f32 v14, v5;
	vm14 =	vlt.f32 v14, v5;
	vm15 =	veq.f32 v15, v5  }
0xd0: {  	vm13 =	vlt.f32 v15, v5;
	vm1 =	vmand vm1, vm10;
	vm0 =	vmand vm0, vm15  }
0xd1: {  	vm10 =	vlt.u32 v40, v3;
	vm15 =	veq.f32 v43, v5;
	vm1 =	vmor vm14, vm1  }
0xd2: {  	vm0 =	vmor vm13, vm0;
	vm14 =	vlt.u32 v39, v3;
	v10 =	vnsel vm1, $0x0, v42  }
0xd3: {  	vm13 =	vlt.f32 v43, v5;
	v11 =	vnsel vm0, $0x0, v41;
	v10 =	vadd.f32 v10, v29  }
0xd4: {  	vm0 =	vmand vm14, vm15;
	vm14 =	veq.f32 v44, v5;
	vm15 =	vlt.f32 v44, v5  }
0xd5: {  	vm0 =	vmor vm13, vm0;
	vm1 =	vmand vm10, vm14;
	v10 =	vadd.f32 v11, v10  }
0xd6: {  	vm14 =	vlt.u32 v38, v3;
	vm10 =	vlt.f32 v47, v5;
	v7 =	vnsel vm0, $0x0, v46  }
0xd7: {  	vm13 =	vmor vm15, vm1;
	vm15 =	veq.f32 v47, v5;
	v51 =	vadd.f32 v7, v10  }
0xd8: {  	v8 =	vnsel vm13, $0x0, v45;
	vm0 =	vmand vm14, vm15;
	vm13 =	vlt.u32 v37, v3  }
0xd9: {  	vm14 =	veq.f32 v49, v5;
	vm0 =	vmor vm10, vm0;
	v4 =	vadd.f32 v8, v51  }
0xda: {  	vm15 =	vlt.f32 v49, v5;
	v6 =	vnsel vm0, $0x0, v48;
	vm0 =	vmand vm13, vm14  }
0xdb: {  	vm10 =	veq.f32 v52, v5;
	vm0 =	vmor vm15, vm0;
	v4 =	vadd.f32 v6, v4  }
0xdc: {  	vm13 =	vlt.f32 v52, v5;
	v3 =	vnsel vm0, $0x0, v50;
	vm0 =	vmand vm9, vm10  }
0xdd: {  	vm14 =	veq.f32 v2, v5;
	vm0 =	vmor vm13, vm0;
	v3 =	vadd.f32 v3, v4  }
0xde: {  	vm15 =	vmand vm8, vm14;
	vm8 =	vlt.f32 v2, v5;
	v1 =	vnsel vm0, $0x0, v53  }
0xdf: {  	vm9 =	veq.f32 v0, v5;
	vm0 =	vmor vm8, vm15;
	v1 =	vadd.f32 v1, v3  }
0xe0: {  	vm10 =	vmand vm7, vm9;
	vm13 =	vlt.f32 v0, v5;
	v54 =	vnsel vm0, $0x0, v36  }
0xe1: {  	vm14 =	veq.f32 v35, v5;
	vm0 =	vmor vm13, vm10;
	v55 =	vadd.f32 v54, v1  }
0xe2: {  	vm15 =	vmand vm6, vm14;
	vm6 =	vlt.f32 v35, v5;
	v56 =	vnsel vm0, $0x0, v34  }
0xe3: {  	vm7 =	veq.f32 v31, v5;
	vm0 =	vmor vm6, vm15;
	v0 =	vadd.f32 v56, v55  }
0xe4: {  	vm9 =	vlt.f32 v31, v5;
	vm8 =	vmand vm5, vm7;
	v57 =	vnsel vm0, $0x0, v30  }
0xe5: {  	vm10 =	veq.f32 v28, v5;
	vm0 =	vmor vm9, vm8;
	v0 =	vadd.f32 v57, v0  }
0xe6: {  	vm14 =	vlt.f32 v28, v5;
	vm13 =	vmand vm4, vm10;
	v58 =	vnsel vm0, $0x0, v27  }
0xe7: {  	vm15 =	veq.f32 v26, v5;
	vm0 =	vmor vm14, vm13;
	v0 =	vadd.f32 v58, v0  }
0xe8: {  	vm5 =	vlt.f32 v26, v5;
	vm4 =	vmand vm3, vm15;
	v59 =	vnsel vm0, $0x0, v25  }
0xe9: {  	vm6 =	veq.f32 v24, v5;
	vm0 =	vmor vm5, vm4;
	v0 =	vadd.f32 v59, v0  }
0xea: {  	vm7 =	vmand vm2, vm6;
	vm8 =	vlt.f32 v24, v5;
	v60 =	vnsel vm0, $0x0, v23  }
0xeb: {  	vm9 =	veq.f32 v22, v5;
	vm0 =	vmor vm8, vm7;
	v0 =	vadd.f32 v60, v0  }
0xec: {  	vm10 =	vmand vm12, vm9;
	vm12 =	vlt.f32 v22, v5;
	v61 =	vnsel vm0, $0x0, v20  }
0xed: {  	vm13 =	veq.f32 v13, v5;
	vm0 =	vmor vm12, vm10;
	v0 =	vadd.f32 v61, v0  }
0xee: {  	vm15 =	vlt.f32 v13, v5;
	vm14 =	vmand vm11, vm13;
	v62 =	vnsel vm0, $0x0, v12  }
0xef: {  	vm0 =	vmor vm15, vm14;
	v0 =	vadd.f32 v62, v0  }
0xf0: {  	v63 =	vnsel vm0, $0x0, v9  }
0xf1: {  	v0 =	vadd.f32 v63, v0  }
0xf2: {  	s3 =	sshll.u32 s1, $0x2;
	s30 =	simm.s32 $0x0  }
0xf3: {  	s4 =	simm.s32 $0x400;
	s31 =	simm.s32 $0x1;
	s2 =	sadd.s32 s2, s3;
	[tilespmem:$0x410] =	vst v0  }
0xf4: {  	[hbm4b:s2+s30] =	stream.linear.scatter [tilespmem:s4], [sflag:$0x1], $0x20, $0x38;
	[tilespmem:$0x480] =	vst v63  }
0xf5: {  	_ =	swait.ge [sflag:s31], $0x20  }
0xf6: {  	[sflag:s31] =	ssyncset.done $0x0  }
0xf7: {  	[sflag:s31] =	ssyncadd.s32 $0xFFFFFFE0  }
0xf8: {  	_ =	sfence.sel $0x180000  }
0xf9: {  	[bflag:$0x0] =	sbarrier.arrive $0xFFFF  }
0xfa: {  	p0 =	sne.s32 s1, $0x0;
	_ =	strace $0x90000047  }
0xfb: {  	s0 =	sadd.s32 @!p0 $0x100000, s0;
	[bflag:$0x2] =	sbarrier.arrive $0xFFFF  }
0xfc: {  	[sflag:s0] =	ssyncadd.tile.s32 @!p0 $0x1;
	_ =	shalt  }
.Lfunc_end2:
_tile_overlayer_lowered:
.L_overlay_start_2:
0xfd: {  	(tag) =	ssettag $0x2  }
0xfe: {  	s0 =	rddreg [dreg:$0x0];
	s2 =	stileid.u32  }
0xff: {  	s1 =	rddreg [dreg:$0x1];
	p0 =	sne.s32 s2, $0x0  }
0x100: {  	s3 =	rddreg [dreg:$0x2];
	[bflag:$0x3] =	sbarrier.arrive $0xFFFF;
	s2 =	simm.s32 @!p0 $0x1C01  }
0x101: {  	[timem:s3], [sflag:s2] =	dma.local @!p0 [hbm:s0], s1  }
0x102: {  	s0 =	simm.s32 @!p0 $0x1  }
0x103: {  	_ =	swait.ge @!p0 [sflag:s0], s1  }
0x104: {  	s1 =	ssub.s32 @!p0 $0x0, s1;
	[sflag:s0] =	ssyncset.done @!p0 $0x0  }
0x105: {  	[sflag:s0] =	ssyncadd.s32 @!p0 s1  }
0x106: {  	[bflag:$0x3] =	sbarrier.arrive $0xFFFF  }
0x107: {  	_ =	shalt  }

</sc_bundles>
